<compile_context>
chip_gen: v7x
topology: tpu7x:2x2x1
jax: 0.10.2.dev20260603
libtpu: 0.0.44.dev20260713+nightly
codegen_flags: <defaults>
</compile_context>

<pallas_src>
import functools

import jax
import jax.numpy as jnp
from jax import lax
from jax.experimental import pallas as pl
from jax.experimental.pallas import tpu as pltpu
from jax.experimental.pallas import tpu_sc as plsc

_INFO = plsc.get_sparse_core_info()
_NC = _INFO.num_cores
_NS = _INFO.num_subcores
_NW = _NC * _NS

_CHUNK = 16
_NBUF = 2


def _make_sc_kernel(n_rows, hidden):
    rows_per_w = n_rows // _NW
    n_chunks = rows_per_w // _CHUNK
    vecs_per_row = hidden // 16
    mesh = plsc.VectorSubcoreMesh(core_axis_name="c", subcore_axis_name="s")

    @functools.partial(
        pl.kernel,
        mesh=mesh,
        out_type=jax.ShapeDtypeStruct((n_rows, hidden), jnp.float32),
        scratch_types=[
            pltpu.VMEM((rows_per_w,), jnp.int32),
            pltpu.VMEM((rows_per_w,), jnp.int32),
            pltpu.VMEM((_NBUF, _CHUNK, hidden), jnp.float32),
            pltpu.VMEM((_NBUF, _CHUNK, hidden), jnp.float32),
            pltpu.VMEM((_NBUF, _CHUNK, hidden), jnp.float32),
        ]
        + [pltpu.SemaphoreType.DMA] * (3 * _NBUF),
    )
    def k(widx_hbm, pidx_hbm, word_hbm, pos_hbm, out_hbm,
          widx_v, pidx_v, wbuf, pbuf, obuf, *sems):
        sem_w = sems[0:_NBUF]
        sem_p = sems[_NBUF:2 * _NBUF]
        sem_o = sems[2 * _NBUF:3 * _NBUF]
        wid = lax.axis_index("s") * _NC + lax.axis_index("c")
        base = wid * rows_per_w

        pltpu.sync_copy(widx_hbm.at[pl.ds(base, rows_per_w)], widx_v)
        pltpu.sync_copy(pidx_hbm.at[pl.ds(base, rows_per_w)], pidx_v)

        def start_gathers(c, b):
            idx = pl.ds(c * _CHUNK, _CHUNK)
            pltpu.async_copy(word_hbm.at[widx_v.at[idx]], wbuf.at[b], sem_w[b])
            pltpu.async_copy(pos_hbm.at[pidx_v.at[idx]], pbuf.at[b], sem_p[b])

        def wait_gathers(c, b):
            idx = pl.ds(c * _CHUNK, _CHUNK)
            pltpu.make_async_copy(word_hbm.at[widx_v.at[idx]], wbuf.at[b], sem_w[b]).wait()
            pltpu.make_async_copy(pos_hbm.at[pidx_v.at[idx]], pbuf.at[b], sem_p[b]).wait()

        def out_slice(c):
            return out_hbm.at[pl.ds(base + c * _CHUNK, _CHUNK)]

        for b in range(_NBUF):
            start_gathers(b, b)

        def chunk_group(g, _):
            for b in range(_NBUF):
                c = g * _NBUF + b
                wait_gathers(c, b)

                @pl.when(c >= _NBUF)
                def _():
                    pltpu.make_async_copy(obuf.at[b], out_slice(c - _NBUF), sem_o[b]).wait()

                def add_body(i, _):
                    r = i // vecs_per_row
                    j = (i % vecs_per_row) * 16
                    obuf[b, r, pl.ds(j, 16)] = (
                        wbuf[b, r, pl.ds(j, 16)] + pbuf[b, r, pl.ds(j, 16)]
                    )
                    return 0

                lax.fori_loop(0, _CHUNK * vecs_per_row, add_body, 0, unroll=8)

                pltpu.async_copy(obuf.at[b], out_slice(c), sem_o[b])

                @pl.when(c + _NBUF < n_chunks)
                def _():
                    start_gathers(c + _NBUF, b)
            return 0

        lax.fori_loop(0, n_chunks // _NBUF, chunk_group, 0)

        for b in range(_NBUF):
            c = n_chunks - _NBUF + b
            pltpu.make_async_copy(obuf.at[b], out_slice(c), sem_o[b]).wait()

    return k


def kernel(input_ids, position_ids, word_embeddings, position_embeddings):
    batch, seq = input_ids.shape
    hidden = word_embeddings.shape[1]
    n_rows = batch * seq

    widx = jnp.transpose(input_ids, (1, 0)).reshape(n_rows).astype(jnp.int32)
    pidx = jnp.transpose(position_ids, (1, 0)).reshape(n_rows).astype(jnp.int32)

    k = _make_sc_kernel(n_rows, hidden)
    flat = k(widx, pidx, word_embeddings, position_embeddings)
    return flat.reshape(seq, batch, hidden)

# --- scband reference (transcript-rebuilt; emitter-appended) ---
"""Pipeline reference for scband-embedding-43121471652299 (READ-ONLY COPY).

The authoritative reference and input builder live on the scoring server;
editing this copy changes nothing except your own understanding.
"""

import jax, jax.numpy as jnp
import numpy as np

VOCAB = 50304
MAX_SEQ = 4096
HIDDEN = 1024
BATCH = 4
SEQ = 4096
DROPOUT_P = 0.0  # deterministic reference


def setup_inputs(seed: int = 0) -> dict:
    key = jax.random.key(seed)
    k1, k2, k3, k4 = jax.random.split(key, 4)
    input_ids = jax.random.randint(k1, (BATCH, SEQ), 0, VOCAB, dtype=jnp.int64 if jax.config.jax_enable_x64 else jnp.int32)
    position_ids = jax.random.randint(k2, (BATCH, SEQ), 0, MAX_SEQ, dtype=jnp.int64 if jax.config.jax_enable_x64 else jnp.int32)
    word_embeddings = jax.random.normal(k3, (VOCAB, HIDDEN), dtype=jnp.float32) * 0.02
    position_embeddings = jax.random.normal(k4, (MAX_SEQ, HIDDEN), dtype=jnp.float32) * 0.02
    return {
        "input_ids": input_ids,
        "position_ids": position_ids,
        "word_embeddings": word_embeddings,
        "position_embeddings": position_embeddings,
    }


def reference(input_ids, position_ids, word_embeddings, position_embeddings):
    # word embedding lookup (VocabParallelEmbedding -> plain gather in single-chip ref)
    words = jnp.take(word_embeddings, input_ids, axis=0)        # [B, S, H]
    pos = jnp.take(position_embeddings, position_ids, axis=0)    # [B, S, H]
    embeddings = words + pos                                      # [B, S, H]
    # [B, S, H] -> [S, B, H] (Megatron layout)
    embeddings = jnp.transpose(embeddings, (1, 0, 2))
    # fp32_residual_connection = False, sequence_parallel = False
    # dropout with p=0.0 is identity
    return embeddings

if __name__ == "__main__":
    import jax
    _d = setup_inputs()
    print(jax.jit(kernel)(*tuple(_d.values())))

</pallas_src>

<mosaic_0001>
#map = affine_map<(d0, d1) -> (0)>
#map1 = affine_map<(d0, d1) -> (0, 0)>
module attributes {stable_mosaic.version = 14 : i64} {
  func.func @k(%arg0: i32, %arg1: i32, %arg2: memref<16384xi32, #tpu.memory_space<hbm>>, %arg3: memref<16384xi32, #tpu.memory_space<hbm>>, %arg4: memref<50304x1024xf32, #tpu.memory_space<hbm>>, %arg5: memref<4096x1024xf32, #tpu.memory_space<hbm>>, %arg6: memref<16384x1024xf32, #tpu.memory_space<hbm>>, %arg7: memref<512xi32, #tpu.memory_space<vmem>>, %arg8: memref<512xi32, #tpu.memory_space<vmem>>, %arg9: memref<2x16x1024xf32, #tpu.memory_space<vmem>>, %arg10: memref<2x16x1024xf32, #tpu.memory_space<vmem>>, %arg11: memref<2x16x1024xf32, #tpu.memory_space<vmem>>, %arg12: memref<!tpu.dma_semaphore, #tpu.memory_space<semaphore_mem>>, %arg13: memref<!tpu.dma_semaphore, #tpu.memory_space<semaphore_mem>>, %arg14: memref<!tpu.dma_semaphore, #tpu.memory_space<semaphore_mem>>, %arg15: memref<!tpu.dma_semaphore, #tpu.memory_space<semaphore_mem>>, %arg16: memref<!tpu.dma_semaphore, #tpu.memory_space<semaphore_mem>>, %arg17: memref<!tpu.dma_semaphore, #tpu.memory_space<semaphore_mem>>) attributes {dimension_semantics = [#tpu.dimension_semantics<core_parallel>, #tpu.dimension_semantics<subcore_parallel>], iteration_bounds = array<i64: 2, 16>, scalar_prefetch = 0 : i64, scratch_operands = 11 : i64, tpu.core_type = #tpu.core_type<sc_vector_subcore>, window_params = [{transform_indices = #map}, {transform_indices = #map}, {transform_indices = #map1}, {transform_indices = #map1}, {transform_indices = #map1}]} {
    %mul3A = arith.constant 2 : i32
    %mul3A_0 = arith.muli %arg1, %mul3A : i32
    %add3A = arith.addi %mul3A_0, %arg0 : i32
    %mul3A_1 = arith.constant 512 : i32
    %mul3A_2 = arith.muli %add3A, %mul3A_1 : i32
    "tpu.region"() ({
      %run_scoped3A = tpu.sem_alloc : memref<!tpu.dma_semaphore, #tpu.memory_space<semaphore_mem>>
      %dma_start3A_77 = tpu.memref_slice %arg2[%mul3A_2] : memref<16384xi32, #tpu.memory_space<hbm>> -> memref<512xi32, #tpu.memory_space<hbm>>
      %dma_start3A_78 = tpu.memref_slice %arg2[%mul3A_2] : memref<16384xi32, #tpu.memory_space<hbm>> -> memref<512xi32, #tpu.memory_space<hbm>>
      tpu.enqueue_dma source(%dma_start3A_78 : memref<512xi32, #tpu.memory_space<hbm>>) target(%arg7 : memref<512xi32, #tpu.memory_space<vmem>>) target_semaphore(%run_scoped3A : memref<!tpu.dma_semaphore, #tpu.memory_space<semaphore_mem>>)
      %dma_wait3A_79 = tpu.memref_slice %arg2[%mul3A_2] : memref<16384xi32, #tpu.memory_space<hbm>> -> memref<512xi32, #tpu.memory_space<hbm>>
      %dma_wait3A_80 = tpu.memref_slice %arg2[%mul3A_2] : memref<16384xi32, #tpu.memory_space<hbm>> -> memref<512xi32, #tpu.memory_space<hbm>>
      tpu.wait_dma2 semaphore(%run_scoped3A : memref<!tpu.dma_semaphore, #tpu.memory_space<semaphore_mem>>) src(%dma_wait3A_80 : memref<512xi32, #tpu.memory_space<hbm>>) dst(%arg7 : memref<512xi32, #tpu.memory_space<vmem>>)
      tpu.yield
    }) : () -> ()
    "tpu.region"() ({
      %run_scoped3A = tpu.sem_alloc : memref<!tpu.dma_semaphore, #tpu.memory_space<semaphore_mem>>
      %dma_start3A_77 = tpu.memref_slice %arg3[%mul3A_2] : memref<16384xi32, #tpu.memory_space<hbm>> -> memref<512xi32, #tpu.memory_space<hbm>>
      %dma_start3A_78 = tpu.memref_slice %arg3[%mul3A_2] : memref<16384xi32, #tpu.memory_space<hbm>> -> memref<512xi32, #tpu.memory_space<hbm>>
      tpu.enqueue_dma source(%dma_start3A_78 : memref<512xi32, #tpu.memory_space<hbm>>) target(%arg8 : memref<512xi32, #tpu.memory_space<vmem>>) target_semaphore(%run_scoped3A : memref<!tpu.dma_semaphore, #tpu.memory_space<semaphore_mem>>)
      %dma_wait3A_79 = tpu.memref_slice %arg3[%mul3A_2] : memref<16384xi32, #tpu.memory_space<hbm>> -> memref<512xi32, #tpu.memory_space<hbm>>
      %dma_wait3A_80 = tpu.memref_slice %arg3[%mul3A_2] : memref<16384xi32, #tpu.memory_space<hbm>> -> memref<512xi32, #tpu.memory_space<hbm>>
      tpu.wait_dma2 semaphore(%run_scoped3A : memref<!tpu.dma_semaphore, #tpu.memory_space<semaphore_mem>>) src(%dma_wait3A_80 : memref<512xi32, #tpu.memory_space<hbm>>) dst(%arg8 : memref<512xi32, #tpu.memory_space<vmem>>)
      tpu.yield
    }) : () -> ()
    %dma_start3A = arith.constant 0 : i32
    %dma_start3A_3 = arith.constant 0 : i32
    %dma_start3A_4 = arith.constant 0 : i32
    %dma_start3A_5 = tpu.memref_slice %arg9[%dma_start3A, %dma_start3A_3, %dma_start3A_4] : memref<2x16x1024xf32, #tpu.memory_space<vmem>> -> memref<1x16x1024xf32, #tpu.memory_space<vmem>>
    %dma_start3A_6 = tpu.memref_squeeze %dma_start3A_5 : memref<1x16x1024xf32, #tpu.memory_space<vmem>> -> memref<16x1024xf32, #tpu.memory_space<vmem>>
    %dma_start3A_7 = arith.constant 0 : i32
    %dma_start3A_8 = tpu.memref_slice %arg7[%dma_start3A_7] : memref<512xi32, #tpu.memory_space<vmem>> -> memref<16xi32, #tpu.memory_space<vmem>>
    %dma_start3A_9 = arith.constant 0 : i32
    %dma_start3A_10 = arith.constant 0 : i32
    %dma_start3A_11 = tpu.memref_slice %arg4[%dma_start3A_9, %dma_start3A_10] : memref<50304x1024xf32, #tpu.memory_space<hbm>> -> memref<50304x1024xf32, #tpu.memory_space<hbm>>
    tpu.enqueue_indirect_dma source(%dma_start3A_11 : memref<50304x1024xf32, #tpu.memory_space<hbm>>) target(%dma_start3A_6 : memref<16x1024xf32, #tpu.memory_space<vmem>>) offsets(%dma_start3A_8 : memref<16xi32, #tpu.memory_space<vmem>>) semaphore(%arg12 : memref<!tpu.dma_semaphore, #tpu.memory_space<semaphore_mem>>)
    %dma_start3A_12 = arith.constant 0 : i32
    %dma_start3A_13 = arith.constant 0 : i32
    %dma_start3A_14 = arith.constant 0 : i32
    %dma_start3A_15 = tpu.memref_slice %arg10[%dma_start3A_12, %dma_start3A_13, %dma_start3A_14] : memref<2x16x1024xf32, #tpu.memory_space<vmem>> -> memref<1x16x1024xf32, #tpu.memory_space<vmem>>
    %dma_start3A_16 = tpu.memref_squeeze %dma_start3A_15 : memref<1x16x1024xf32, #tpu.memory_space<vmem>> -> memref<16x1024xf32, #tpu.memory_space<vmem>>
    %dma_start3A_17 = arith.constant 0 : i32
    %dma_start3A_18 = tpu.memref_slice %arg8[%dma_start3A_17] : memref<512xi32, #tpu.memory_space<vmem>> -> memref<16xi32, #tpu.memory_space<vmem>>
    %dma_start3A_19 = arith.constant 0 : i32
    %dma_start3A_20 = arith.constant 0 : i32
    %dma_start3A_21 = tpu.memref_slice %arg5[%dma_start3A_19, %dma_start3A_20] : memref<4096x1024xf32, #tpu.memory_space<hbm>> -> memref<4096x1024xf32, #tpu.memory_space<hbm>>
    tpu.enqueue_indirect_dma source(%dma_start3A_21 : memref<4096x1024xf32, #tpu.memory_space<hbm>>) target(%dma_start3A_16 : memref<16x1024xf32, #tpu.memory_space<vmem>>) offsets(%dma_start3A_18 : memref<16xi32, #tpu.memory_space<vmem>>) semaphore(%arg14 : memref<!tpu.dma_semaphore, #tpu.memory_space<semaphore_mem>>)
    %dma_start3A_22 = arith.constant 1 : i32
    %dma_start3A_23 = arith.constant 0 : i32
    %dma_start3A_24 = arith.constant 0 : i32
    %dma_start3A_25 = tpu.memref_slice %arg9[%dma_start3A_22, %dma_start3A_23, %dma_start3A_24] : memref<2x16x1024xf32, #tpu.memory_space<vmem>> -> memref<1x16x1024xf32, #tpu.memory_space<vmem>>
    %dma_start3A_26 = tpu.memref_squeeze %dma_start3A_25 : memref<1x16x1024xf32, #tpu.memory_space<vmem>> -> memref<16x1024xf32, #tpu.memory_space<vmem>>
    %dma_start3A_27 = arith.constant 16 : i32
    %dma_start3A_28 = tpu.memref_slice %arg7[%dma_start3A_27] : memref<512xi32, #tpu.memory_space<vmem>> -> memref<16xi32, #tpu.memory_space<vmem>>
    %dma_start3A_29 = arith.constant 0 : i32
    %dma_start3A_30 = arith.constant 0 : i32
    %dma_start3A_31 = tpu.memref_slice %arg4[%dma_start3A_29, %dma_start3A_30] : memref<50304x1024xf32, #tpu.memory_space<hbm>> -> memref<50304x1024xf32, #tpu.memory_space<hbm>>
    tpu.enqueue_indirect_dma source(%dma_start3A_31 : memref<50304x1024xf32, #tpu.memory_space<hbm>>) target(%dma_start3A_26 : memref<16x1024xf32, #tpu.memory_space<vmem>>) offsets(%dma_start3A_28 : memref<16xi32, #tpu.memory_space<vmem>>) semaphore(%arg13 : memref<!tpu.dma_semaphore, #tpu.memory_space<semaphore_mem>>)
    %dma_start3A_32 = arith.constant 1 : i32
    %dma_start3A_33 = arith.constant 0 : i32
    %dma_start3A_34 = arith.constant 0 : i32
    %dma_start3A_35 = tpu.memref_slice %arg10[%dma_start3A_32, %dma_start3A_33, %dma_start3A_34] : memref<2x16x1024xf32, #tpu.memory_space<vmem>> -> memref<1x16x1024xf32, #tpu.memory_space<vmem>>
    %dma_start3A_36 = tpu.memref_squeeze %dma_start3A_35 : memref<1x16x1024xf32, #tpu.memory_space<vmem>> -> memref<16x1024xf32, #tpu.memory_space<vmem>>
    %dma_start3A_37 = arith.constant 16 : i32
    %dma_start3A_38 = tpu.memref_slice %arg8[%dma_start3A_37] : memref<512xi32, #tpu.memory_space<vmem>> -> memref<16xi32, #tpu.memory_space<vmem>>
    %dma_start3A_39 = arith.constant 0 : i32
    %dma_start3A_40 = arith.constant 0 : i32
    %dma_start3A_41 = tpu.memref_slice %arg5[%dma_start3A_39, %dma_start3A_40] : memref<4096x1024xf32, #tpu.memory_space<hbm>> -> memref<4096x1024xf32, #tpu.memory_space<hbm>>
    tpu.enqueue_indirect_dma source(%dma_start3A_41 : memref<4096x1024xf32, #tpu.memory_space<hbm>>) target(%dma_start3A_36 : memref<16x1024xf32, #tpu.memory_space<vmem>>) offsets(%dma_start3A_38 : memref<16xi32, #tpu.memory_space<vmem>>) semaphore(%arg15 : memref<!tpu.dma_semaphore, #tpu.memory_space<semaphore_mem>>)
    %scan3A = arith.constant 0 : i32
    %scan3A_42 = arith.constant 0 : i32
    %scan3A_43 = arith.constant 16 : i32
    %scan3A_44 = arith.addi %scan3A_42, %scan3A_43 : i32
    %scan3A_45 = arith.constant 1 : i32
    %scan3A_46 = scf.for %scan3A_77 = %scan3A_42 to %scan3A_44 step %scan3A_45 iter_args(%scan3A_78 = %scan3A) -> (i32)  : i32 {
      %mul3A_79 = arith.constant 2 : i32
      %mul3A_80 = arith.muli %scan3A_77, %mul3A_79 : i32
      %add3A_81 = arith.constant 0 : i32
      %add3A_82 = arith.addi %mul3A_80, %add3A_81 : i32
      %mul3A_83 = arith.constant 16 : i32
      %mul3A_84 = arith.muli %add3A_82, %mul3A_83 : i32
      %dma_wait3A_85 = arith.constant 0 : i32
      %dma_wait3A_86 = arith.constant 0 : i32
      %dma_wait3A_87 = arith.constant 0 : i32
      %dma_wait3A_88 = tpu.memref_slice %arg9[%dma_wait3A_85, %dma_wait3A_86, %dma_wait3A_87] : memref<2x16x1024xf32, #tpu.memory_space<vmem>> -> memref<1x16x1024xf32, #tpu.memory_space<vmem>>
      %dma_wait3A_89 = tpu.memref_squeeze %dma_wait3A_88 : memref<1x16x1024xf32, #tpu.memory_space<vmem>> -> memref<16x1024xf32, #tpu.memory_space<vmem>>
      %dma_wait3A_90 = tpu.memref_slice %arg7[%mul3A_84] : memref<512xi32, #tpu.memory_space<vmem>> -> memref<16xi32, #tpu.memory_space<vmem>>
      %dma_wait3A_91 = arith.constant 0 : i32
      %dma_wait3A_92 = arith.constant 0 : i32
      %dma_wait3A_93 = tpu.memref_slice %arg4[%dma_wait3A_91, %dma_wait3A_92] : memref<50304x1024xf32, #tpu.memory_space<hbm>> -> memref<50304x1024xf32, #tpu.memory_space<hbm>>
      tpu.wait_indirect_dma semaphore(%arg12 : memref<!tpu.dma_semaphore, #tpu.memory_space<semaphore_mem>>) src(%dma_wait3A_93 : memref<50304x1024xf32, #tpu.memory_space<hbm>>) dst(%dma_wait3A_89 : memref<16x1024xf32, #tpu.memory_space<vmem>>)
      %dma_wait3A_94 = arith.constant 0 : i32
      %dma_wait3A_95 = arith.constant 0 : i32
      %dma_wait3A_96 = arith.constant 0 : i32
      %dma_wait3A_97 = tpu.memref_slice %arg10[%dma_wait3A_94, %dma_wait3A_95, %dma_wait3A_96] : memref<2x16x1024xf32, #tpu.memory_space<vmem>> -> memref<1x16x1024xf32, #tpu.memory_space<vmem>>
      %dma_wait3A_98 = tpu.memref_squeeze %dma_wait3A_97 : memref<1x16x1024xf32, #tpu.memory_space<vmem>> -> memref<16x1024xf32, #tpu.memory_space<vmem>>
      %dma_wait3A_99 = tpu.memref_slice %arg8[%mul3A_84] : memref<512xi32, #tpu.memory_space<vmem>> -> memref<16xi32, #tpu.memory_space<vmem>>
      %dma_wait3A_100 = arith.constant 0 : i32
      %dma_wait3A_101 = arith.constant 0 : i32
      %dma_wait3A_102 = tpu.memref_slice %arg5[%dma_wait3A_100, %dma_wait3A_101] : memref<4096x1024xf32, #tpu.memory_space<hbm>> -> memref<4096x1024xf32, #tpu.memory_space<hbm>>
      tpu.wait_indirect_dma semaphore(%arg14 : memref<!tpu.dma_semaphore, #tpu.memory_space<semaphore_mem>>) src(%dma_wait3A_102 : memref<4096x1024xf32, #tpu.memory_space<hbm>>) dst(%dma_wait3A_98 : memref<16x1024xf32, #tpu.memory_space<vmem>>)
      %ge3A = arith.constant 2 : i32
      %ge3A_103 = arith.cmpi sge, %add3A_82, %ge3A : i32
      %convert_element_type3A = arith.extui %ge3A_103 : i1 to i32
      %cond3A = arith.constant 0 : i32
      %cond3A_104 = arith.cmpi ne, %convert_element_type3A, %cond3A : i32
      scf.if %cond3A_104 {
        %sub3A = arith.constant 2 : i32
        %sub3A_194 = arith.subi %add3A_82, %sub3A : i32
        %mul3A_195 = arith.constant 16 : i32
        %mul3A_196 = arith.muli %sub3A_194, %mul3A_195 : i32
        %add3A_197 = arith.addi %mul3A_2, %mul3A_196 : i32
        %dma_wait3A_198 = arith.constant 0 : i32
        %dma_wait3A_199 = arith.constant 0 : i32
        %dma_wait3A_200 = arith.constant 0 : i32
        %dma_wait3A_201 = tpu.memref_slice %arg11[%dma_wait3A_198, %dma_wait3A_199, %dma_wait3A_200] : memref<2x16x1024xf32, #tpu.memory_space<vmem>> -> memref<1x16x1024xf32, #tpu.memory_space<vmem>>
        %dma_wait3A_202 = tpu.memref_squeeze %dma_wait3A_201 : memref<1x16x1024xf32, #tpu.memory_space<vmem>> -> memref<16x1024xf32, #tpu.memory_space<vmem>>
        %dma_wait3A_203 = arith.constant 0 : i32
        %dma_wait3A_204 = tpu.memref_slice %arg6[%add3A_197, %dma_wait3A_203] : memref<16384x1024xf32, #tpu.memory_space<hbm>> -> memref<16x1024xf32, #tpu.memory_space<hbm>>
        %dma_wait3A_205 = arith.constant 0 : i32
        %dma_wait3A_206 = tpu.memref_slice %arg6[%add3A_197, %dma_wait3A_205] : memref<16384x1024xf32, #tpu.memory_space<hbm>> -> memref<16x1024xf32, #tpu.memory_space<hbm>>
        %dma_wait3A_207 = arith.constant 0 : i32
        %dma_wait3A_208 = arith.constant 0 : i32
        %dma_wait3A_209 = tpu.memref_slice %arg11[%dma_wait3A_198, %dma_wait3A_207, %dma_wait3A_208] : memref<2x16x1024xf32, #tpu.memory_space<vmem>> -> memref<1x16x1024xf32, #tpu.memory_space<vmem>>
        %dma_wait3A_210 = tpu.memref_squeeze %dma_wait3A_209 : memref<1x16x1024xf32, #tpu.memory_space<vmem>> -> memref<16x1024xf32, #tpu.memory_space<vmem>>
        tpu.wait_dma2 semaphore(%arg16 : memref<!tpu.dma_semaphore, #tpu.memory_space<semaphore_mem>>) src(%dma_wait3A_210 : memref<16x1024xf32, #tpu.memory_space<vmem>>) dst(%dma_wait3A_206 : memref<16x1024xf32, #tpu.memory_space<hbm>>)
      } else {
      }
      %scan3A_105 = arith.constant 0 : i32
      %scan3A_106 = arith.constant 0 : i32
      %scan3A_107 = arith.constant 1024 : i32
      %scan3A_108 = arith.addi %scan3A_106, %scan3A_107 : i32
      %scan3A_109 = arith.constant 8 : i32
      %scan3A_110 = scf.for %scan3A_194 = %scan3A_106 to %scan3A_108 step %scan3A_109 iter_args(%scan3A_195 = %scan3A_105) -> (i32)  : i32 {
        %jit3A = arith.constant 64 : i32
        %div3A = arith.divsi %scan3A_194, %jit3A : i32
        %sign3A = arith.constant 0 : i32
        %sign3A_196 = arith.cmpi sgt, %scan3A_194, %sign3A : i32
        %sign3A_197 = arith.extui %sign3A_196 : i1 to i32
        %sign3A_198 = arith.constant 0 : i32
        %sign3A_199 = arith.cmpi slt, %scan3A_194, %sign3A_198 : i32
        %sign3A_200 = arith.extui %sign3A_199 : i1 to i32
        %sign3A_201 = arith.subi %sign3A_197, %sign3A_200 : i32
        %sign3A_202 = arith.constant 0 : i32
        %sign3A_203 = arith.cmpi sgt, %jit3A, %sign3A_202 : i32
        %sign3A_204 = arith.extui %sign3A_203 : i1 to i32
        %sign3A_205 = arith.constant 0 : i32
        %sign3A_206 = arith.cmpi slt, %jit3A, %sign3A_205 : i32
        %sign3A_207 = arith.extui %sign3A_206 : i1 to i32
        %sign3A_208 = arith.subi %sign3A_204, %sign3A_207 : i32
        %ne3A = arith.cmpi ne, %sign3A_201, %sign3A_208 : i32
        %rem3A = arith.remsi %scan3A_194, %jit3A : i32
        %ne3A_209 = arith.constant 0 : i32
        %ne3A_210 = arith.cmpi ne, %rem3A, %ne3A_209 : i32
        %and3A = arith.andi %ne3A, %ne3A_210 : i1
        %sub3A = arith.constant 1 : i32
        %sub3A_211 = arith.subi %div3A, %sub3A : i32
        %select_n3A = arith.select %and3A, %sub3A_211, %div3A : i32
        %jit3A_212 = arith.constant 64 : i32
        %eq3A = arith.constant 0 : i32
        %eq3A_213 = arith.cmpi eq, %jit3A_212, %eq3A : i32
        %jit3A_214 = arith.constant 1 : i32
        %select_n3A_215 = arith.select %eq3A_213, %jit3A_214, %jit3A_212 : i32
        %rem3A_216 = arith.remsi %scan3A_194, %select_n3A_215 : i32
        %ne3A_217 = arith.constant 0 : i32
        %ne3A_218 = arith.cmpi ne, %rem3A_216, %ne3A_217 : i32
        %lt3A_219 = arith.constant 0 : i32
        %lt3A_220 = arith.cmpi slt, %rem3A_216, %lt3A_219 : i32
        %lt3A_221 = arith.constant 0 : i32
        %lt3A_222 = arith.cmpi slt, %select_n3A_215, %lt3A_221 : i32
        %ne3A_223 = arith.xori %lt3A_220, %lt3A_222 : i1
        %and3A_224 = arith.andi %ne3A_223, %ne3A_218 : i1
        %add3A_225 = arith.addi %rem3A_216, %select_n3A_215 : i32
        %select_n3A_226 = arith.select %and3A_224, %add3A_225, %rem3A_216 : i32
        %mul3A_227 = arith.constant 16 : i32
        %mul3A_228 = arith.muli %select_n3A_226, %mul3A_227 : i32
        %get3A = arith.constant 0 : i32
        %get3A_229 = arith.index_cast %get3A : i32 to index
        %get3A_230 = arith.index_cast %select_n3A : i32 to index
        %get3A_231 = arith.index_cast %mul3A_228 : i32 to index
        %get3A_232 = tpu.vector_load %arg9[%get3A_229, %get3A_230, %get3A_231] {strides = array<i32>} : memref<2x16x1024xf32, #tpu.memory_space<vmem>>, vector<1x1x16xf32>,
        %get3A_233 = vector.shape_cast %get3A_232 : vector<1x1x16xf32> to vector<16xf32>
        %get3A_234 = arith.constant 0 : i32
        %get3A_235 = arith.index_cast %get3A_234 : i32 to index
        %get3A_236 = arith.index_cast %select_n3A : i32 to index
        %get3A_237 = arith.index_cast %mul3A_228 : i32 to index
        %get3A_238 = tpu.vector_load %arg10[%get3A_235, %get3A_236, %get3A_237] {strides = array<i32>} : memref<2x16x1024xf32, #tpu.memory_space<vmem>>, vector<1x1x16xf32>,
        %get3A_239 = vector.shape_cast %get3A_238 : vector<1x1x16xf32> to vector<16xf32>
        %add3A_240 = arith.addf %get3A_233, %get3A_239 : vector<16xf32>
        %swap3A = arith.constant 0 : i32
        %swap3A_241 = arith.index_cast %swap3A : i32 to index
        %swap3A_242 = arith.index_cast %select_n3A : i32 to index
        %swap3A_243 = arith.index_cast %mul3A_228 : i32 to index
        %swap3A_244 = tpu.vector_load %arg11[%swap3A_241, %swap3A_242, %swap3A_243] {strides = array<i32>} : memref<2x16x1024xf32, #tpu.memory_space<vmem>>, vector<1x1x16xf32>,
        %swap3A_245 = vector.shape_cast %swap3A_244 : vector<1x1x16xf32> to vector<16xf32>
        %swap3A_246 = vector.shape_cast %add3A_240 : vector<16xf32> to vector<1x1x16xf32>
        tpu.vector_store %arg11[%swap3A_241, %swap3A_242, %swap3A_243], %swap3A_246 {strides = array<i32>} : memref<2x16x1024xf32, #tpu.memory_space<vmem>>, vector<1x1x16xf32>,
        %scan3A_247 = arith.constant 0 : i32
        %scan3A_248 = arith.constant 1 : i32
        %scan3A_249 = arith.addi %scan3A_194, %scan3A_248 : i32
        %jit3A_250 = arith.constant 64 : i32
        %div3A_251 = arith.divsi %scan3A_249, %jit3A_250 : i32
        %sign3A_252 = arith.constant 0 : i32
        %sign3A_253 = arith.cmpi sgt, %scan3A_249, %sign3A_252 : i32
        %sign3A_254 = arith.extui %sign3A_253 : i1 to i32
        %sign3A_255 = arith.constant 0 : i32
        %sign3A_256 = arith.cmpi slt, %scan3A_249, %sign3A_255 : i32
        %sign3A_257 = arith.extui %sign3A_256 : i1 to i32
        %sign3A_258 = arith.subi %sign3A_254, %sign3A_257 : i32
        %sign3A_259 = arith.constant 0 : i32
        %sign3A_260 = arith.cmpi sgt, %jit3A_250, %sign3A_259 : i32
        %sign3A_261 = arith.extui %sign3A_260 : i1 to i32
        %sign3A_262 = arith.constant 0 : i32
        %sign3A_263 = arith.cmpi slt, %jit3A_250, %sign3A_262 : i32
        %sign3A_264 = arith.extui %sign3A_263 : i1 to i32
        %sign3A_265 = arith.subi %sign3A_261, %sign3A_264 : i32
        %ne3A_266 = arith.cmpi ne, %sign3A_258, %sign3A_265 : i32
        %rem3A_267 = arith.remsi %scan3A_249, %jit3A_250 : i32
        %ne3A_268 = arith.constant 0 : i32
        %ne3A_269 = arith.cmpi ne, %rem3A_267, %ne3A_268 : i32
        %and3A_270 = arith.andi %ne3A_266, %ne3A_269 : i1
        %sub3A_271 = arith.constant 1 : i32
        %sub3A_272 = arith.subi %div3A_251, %sub3A_271 : i32
        %select_n3A_273 = arith.select %and3A_270, %sub3A_272, %div3A_251 : i32
        %jit3A_274 = arith.constant 64 : i32
        %eq3A_275 = arith.constant 0 : i32
        %eq3A_276 = arith.cmpi eq, %jit3A_274, %eq3A_275 : i32
        %jit3A_277 = arith.constant 1 : i32
        %select_n3A_278 = arith.select %eq3A_276, %jit3A_277, %jit3A_274 : i32
        %rem3A_279 = arith.remsi %scan3A_249, %select_n3A_278 : i32
        %ne3A_280 = arith.constant 0 : i32
        %ne3A_281 = arith.cmpi ne, %rem3A_279, %ne3A_280 : i32
        %lt3A_282 = arith.constant 0 : i32
        %lt3A_283 = arith.cmpi slt, %rem3A_279, %lt3A_282 : i32
        %lt3A_284 = arith.constant 0 : i32
        %lt3A_285 = arith.cmpi slt, %select_n3A_278, %lt3A_284 : i32
        %ne3A_286 = arith.xori %lt3A_283, %lt3A_285 : i1
        %and3A_287 = arith.andi %ne3A_286, %ne3A_281 : i1
        %add3A_288 = arith.addi %rem3A_279, %select_n3A_278 : i32
        %select_n3A_289 = arith.select %and3A_287, %add3A_288, %rem3A_279 : i32
        %mul3A_290 = arith.constant 16 : i32
        %mul3A_291 = arith.muli %select_n3A_289, %mul3A_290 : i32
        %get3A_292 = arith.constant 0 : i32
        %get3A_293 = arith.index_cast %get3A_292 : i32 to index
        %get3A_294 = arith.index_cast %select_n3A_273 : i32 to index
        %get3A_295 = arith.index_cast %mul3A_291 : i32 to index
        %get3A_296 = tpu.vector_load %arg9[%get3A_293, %get3A_294, %get3A_295] {strides = array<i32>} : memref<2x16x1024xf32, #tpu.memory_space<vmem>>, vector<1x1x16xf32>,
        %get3A_297 = vector.shape_cast %get3A_296 : vector<1x1x16xf32> to vector<16xf32>
        %get3A_298 = arith.constant 0 : i32
        %get3A_299 = arith.index_cast %get3A_298 : i32 to index
        %get3A_300 = arith.index_cast %select_n3A_273 : i32 to index
        %get3A_301 = arith.index_cast %mul3A_291 : i32 to index
        %get3A_302 = tpu.vector_load %arg10[%get3A_299, %get3A_300, %get3A_301] {strides = array<i32>} : memref<2x16x1024xf32, #tpu.memory_space<vmem>>, vector<1x1x16xf32>,
        %get3A_303 = vector.shape_cast %get3A_302 : vector<1x1x16xf32> to vector<16xf32>
        %add3A_304 = arith.addf %get3A_297, %get3A_303 : vector<16xf32>
        %swap3A_305 = arith.constant 0 : i32
        %swap3A_306 = arith.index_cast %swap3A_305 : i32 to index
        %swap3A_307 = arith.index_cast %select_n3A_273 : i32 to index
        %swap3A_308 = arith.index_cast %mul3A_291 : i32 to index
        %swap3A_309 = tpu.vector_load %arg11[%swap3A_306, %swap3A_307, %swap3A_308] {strides = array<i32>} : memref<2x16x1024xf32, #tpu.memory_space<vmem>>, vector<1x1x16xf32>,
        %swap3A_310 = vector.shape_cast %swap3A_309 : vector<1x1x16xf32> to vector<16xf32>
        %swap3A_311 = vector.shape_cast %add3A_304 : vector<16xf32> to vector<1x1x16xf32>
        tpu.vector_store %arg11[%swap3A_306, %swap3A_307, %swap3A_308], %swap3A_311 {strides = array<i32>} : memref<2x16x1024xf32, #tpu.memory_space<vmem>>, vector<1x1x16xf32>,
        %scan3A_312 = arith.constant 0 : i32
        %scan3A_313 = arith.constant 2 : i32
        %scan3A_314 = arith.addi %scan3A_194, %scan3A_313 : i32
        %jit3A_315 = arith.constant 64 : i32
        %div3A_316 = arith.divsi %scan3A_314, %jit3A_315 : i32
        %sign3A_317 = arith.constant 0 : i32
        %sign3A_318 = arith.cmpi sgt, %scan3A_314, %sign3A_317 : i32
        %sign3A_319 = arith.extui %sign3A_318 : i1 to i32
        %sign3A_320 = arith.constant 0 : i32
        %sign3A_321 = arith.cmpi slt, %scan3A_314, %sign3A_320 : i32
        %sign3A_322 = arith.extui %sign3A_321 : i1 to i32
        %sign3A_323 = arith.subi %sign3A_319, %sign3A_322 : i32
        %sign3A_324 = arith.constant 0 : i32
        %sign3A_325 = arith.cmpi sgt, %jit3A_315, %sign3A_324 : i32
        %sign3A_326 = arith.extui %sign3A_325 : i1 to i32
        %sign3A_327 = arith.constant 0 : i32
        %sign3A_328 = arith.cmpi slt, %jit3A_315, %sign3A_327 : i32
        %sign3A_329 = arith.extui %sign3A_328 : i1 to i32
        %sign3A_330 = arith.subi %sign3A_326, %sign3A_329 : i32
        %ne3A_331 = arith.cmpi ne, %sign3A_323, %sign3A_330 : i32
        %rem3A_332 = arith.remsi %scan3A_314, %jit3A_315 : i32
        %ne3A_333 = arith.constant 0 : i32
        %ne3A_334 = arith.cmpi ne, %rem3A_332, %ne3A_333 : i32
        %and3A_335 = arith.andi %ne3A_331, %ne3A_334 : i1
        %sub3A_336 = arith.constant 1 : i32
        %sub3A_337 = arith.subi %div3A_316, %sub3A_336 : i32
        %select_n3A_338 = arith.select %and3A_335, %sub3A_337, %div3A_316 : i32
        %jit3A_339 = arith.constant 64 : i32
        %eq3A_340 = arith.constant 0 : i32
        %eq3A_341 = arith.cmpi eq, %jit3A_339, %eq3A_340 : i32
        %jit3A_342 = arith.constant 1 : i32
        %select_n3A_343 = arith.select %eq3A_341, %jit3A_342, %jit3A_339 : i32
        %rem3A_344 = arith.remsi %scan3A_314, %select_n3A_343 : i32
        %ne3A_345 = arith.constant 0 : i32
        %ne3A_346 = arith.cmpi ne, %rem3A_344, %ne3A_345 : i32
        %lt3A_347 = arith.constant 0 : i32
        %lt3A_348 = arith.cmpi slt, %rem3A_344, %lt3A_347 : i32
        %lt3A_349 = arith.constant 0 : i32
        %lt3A_350 = arith.cmpi slt, %select_n3A_343, %lt3A_349 : i32
        %ne3A_351 = arith.xori %lt3A_348, %lt3A_350 : i1
        %and3A_352 = arith.andi %ne3A_351, %ne3A_346 : i1
        %add3A_353 = arith.addi %rem3A_344, %select_n3A_343 : i32
        %select_n3A_354 = arith.select %and3A_352, %add3A_353, %rem3A_344 : i32
        %mul3A_355 = arith.constant 16 : i32
        %mul3A_356 = arith.muli %select_n3A_354, %mul3A_355 : i32
        %get3A_357 = arith.constant 0 : i32
        %get3A_358 = arith.index_cast %get3A_357 : i32 to index
        %get3A_359 = arith.index_cast %select_n3A_338 : i32 to index
        %get3A_360 = arith.index_cast %mul3A_356 : i32 to index
        %get3A_361 = tpu.vector_load %arg9[%get3A_358, %get3A_359, %get3A_360] {strides = array<i32>} : memref<2x16x1024xf32, #tpu.memory_space<vmem>>, vector<1x1x16xf32>,
        %get3A_362 = vector.shape_cast %get3A_361 : vector<1x1x16xf32> to vector<16xf32>
        %get3A_363 = arith.constant 0 : i32
        %get3A_364 = arith.index_cast %get3A_363 : i32 to index
        %get3A_365 = arith.index_cast %select_n3A_338 : i32 to index
        %get3A_366 = arith.index_cast %mul3A_356 : i32 to index
        %get3A_367 = tpu.vector_load %arg10[%get3A_364, %get3A_365, %get3A_366] {strides = array<i32>} : memref<2x16x1024xf32, #tpu.memory_space<vmem>>, vector<1x1x16xf32>,
        %get3A_368 = vector.shape_cast %get3A_367 : vector<1x1x16xf32> to vector<16xf32>
        %add3A_369 = arith.addf %get3A_362, %get3A_368 : vector<16xf32>
        %swap3A_370 = arith.constant 0 : i32
        %swap3A_371 = arith.index_cast %swap3A_370 : i32 to index
        %swap3A_372 = arith.index_cast %select_n3A_338 : i32 to index
        %swap3A_373 = arith.index_cast %mul3A_356 : i32 to index
        %swap3A_374 = tpu.vector_load %arg11[%swap3A_371, %swap3A_372, %swap3A_373] {strides = array<i32>} : memref<2x16x1024xf32, #tpu.memory_space<vmem>>, vector<1x1x16xf32>,
        %swap3A_375 = vector.shape_cast %swap3A_374 : vector<1x1x16xf32> to vector<16xf32>
        %swap3A_376 = vector.shape_cast %add3A_369 : vector<16xf32> to vector<1x1x16xf32>
        tpu.vector_store %arg11[%swap3A_371, %swap3A_372, %swap3A_373], %swap3A_376 {strides = array<i32>} : memref<2x16x1024xf32, #tpu.memory_space<vmem>>, vector<1x1x16xf32>,
        %scan3A_377 = arith.constant 0 : i32
        %scan3A_378 = arith.constant 3 : i32
        %scan3A_379 = arith.addi %scan3A_194, %scan3A_378 : i32
        %jit3A_380 = arith.constant 64 : i32
        %div3A_381 = arith.divsi %scan3A_379, %jit3A_380 : i32
        %sign3A_382 = arith.constant 0 : i32
        %sign3A_383 = arith.cmpi sgt, %scan3A_379, %sign3A_382 : i32
        %sign3A_384 = arith.extui %sign3A_383 : i1 to i32
        %sign3A_385 = arith.constant 0 : i32
        %sign3A_386 = arith.cmpi slt, %scan3A_379, %sign3A_385 : i32
        %sign3A_387 = arith.extui %sign3A_386 : i1 to i32
        %sign3A_388 = arith.subi %sign3A_384, %sign3A_387 : i32
        %sign3A_389 = arith.constant 0 : i32
        %sign3A_390 = arith.cmpi sgt, %jit3A_380, %sign3A_389 : i32
        %sign3A_391 = arith.extui %sign3A_390 : i1 to i32
        %sign3A_392 = arith.constant 0 : i32
        %sign3A_393 = arith.cmpi slt, %jit3A_380, %sign3A_392 : i32
        %sign3A_394 = arith.extui %sign3A_393 : i1 to i32
        %sign3A_395 = arith.subi %sign3A_391, %sign3A_394 : i32
        %ne3A_396 = arith.cmpi ne, %sign3A_388, %sign3A_395 : i32
        %rem3A_397 = arith.remsi %scan3A_379, %jit3A_380 : i32
        %ne3A_398 = arith.constant 0 : i32
        %ne3A_399 = arith.cmpi ne, %rem3A_397, %ne3A_398 : i32
        %and3A_400 = arith.andi %ne3A_396, %ne3A_399 : i1
        %sub3A_401 = arith.constant 1 : i32
        %sub3A_402 = arith.subi %div3A_381, %sub3A_401 : i32
        %select_n3A_403 = arith.select %and3A_400, %sub3A_402, %div3A_381 : i32
        %jit3A_404 = arith.constant 64 : i32
        %eq3A_405 = arith.constant 0 : i32
        %eq3A_406 = arith.cmpi eq, %jit3A_404, %eq3A_405 : i32
        %jit3A_407 = arith.constant 1 : i32
        %select_n3A_408 = arith.select %eq3A_406, %jit3A_407, %jit3A_404 : i32
        %rem3A_409 = arith.remsi %scan3A_379, %select_n3A_408 : i32
        %ne3A_410 = arith.constant 0 : i32
        %ne3A_411 = arith.cmpi ne, %rem3A_409, %ne3A_410 : i32
        %lt3A_412 = arith.constant 0 : i32
        %lt3A_413 = arith.cmpi slt, %rem3A_409, %lt3A_412 : i32
        %lt3A_414 = arith.constant 0 : i32
        %lt3A_415 = arith.cmpi slt, %select_n3A_408, %lt3A_414 : i32
        %ne3A_416 = arith.xori %lt3A_413, %lt3A_415 : i1
        %and3A_417 = arith.andi %ne3A_416, %ne3A_411 : i1
        %add3A_418 = arith.addi %rem3A_409, %select_n3A_408 : i32
        %select_n3A_419 = arith.select %and3A_417, %add3A_418, %rem3A_409 : i32
        %mul3A_420 = arith.constant 16 : i32
        %mul3A_421 = arith.muli %select_n3A_419, %mul3A_420 : i32
        %get3A_422 = arith.constant 0 : i32
        %get3A_423 = arith.index_cast %get3A_422 : i32 to index
        %get3A_424 = arith.index_cast %select_n3A_403 : i32 to index
        %get3A_425 = arith.index_cast %mul3A_421 : i32 to index
        %get3A_426 = tpu.vector_load %arg9[%get3A_423, %get3A_424, %get3A_425] {strides = array<i32>} : memref<2x16x1024xf32, #tpu.memory_space<vmem>>, vector<1x1x16xf32>,
        %get3A_427 = vector.shape_cast %get3A_426 : vector<1x1x16xf32> to vector<16xf32>
        %get3A_428 = arith.constant 0 : i32
        %get3A_429 = arith.index_cast %get3A_428 : i32 to index
        %get3A_430 = arith.index_cast %select_n3A_403 : i32 to index
        %get3A_431 = arith.index_cast %mul3A_421 : i32 to index
        %get3A_432 = tpu.vector_load %arg10[%get3A_429, %get3A_430, %get3A_431] {strides = array<i32>} : memref<2x16x1024xf32, #tpu.memory_space<vmem>>, vector<1x1x16xf32>,
        %get3A_433 = vector.shape_cast %get3A_432 : vector<1x1x16xf32> to vector<16xf32>
        %add3A_434 = arith.addf %get3A_427, %get3A_433 : vector<16xf32>
        %swap3A_435 = arith.constant 0 : i32
        %swap3A_436 = arith.index_cast %swap3A_435 : i32 to index
        %swap3A_437 = arith.index_cast %select_n3A_403 : i32 to index
        %swap3A_438 = arith.index_cast %mul3A_421 : i32 to index
        %swap3A_439 = tpu.vector_load %arg11[%swap3A_436, %swap3A_437, %swap3A_438] {strides = array<i32>} : memref<2x16x1024xf32, #tpu.memory_space<vmem>>, vector<1x1x16xf32>,
        %swap3A_440 = vector.shape_cast %swap3A_439 : vector<1x1x16xf32> to vector<16xf32>
        %swap3A_441 = vector.shape_cast %add3A_434 : vector<16xf32> to vector<1x1x16xf32>
        tpu.vector_store %arg11[%swap3A_436, %swap3A_437, %swap3A_438], %swap3A_441 {strides = array<i32>} : memref<2x16x1024xf32, #tpu.memory_space<vmem>>, vector<1x1x16xf32>,
        %scan3A_442 = arith.constant 0 : i32
        %scan3A_443 = arith.constant 4 : i32
        %scan3A_444 = arith.addi %scan3A_194, %scan3A_443 : i32
        %jit3A_445 = arith.constant 64 : i32
        %div3A_446 = arith.divsi %scan3A_444, %jit3A_445 : i32
        %sign3A_447 = arith.constant 0 : i32
        %sign3A_448 = arith.cmpi sgt, %scan3A_444, %sign3A_447 : i32
        %sign3A_449 = arith.extui %sign3A_448 : i1 to i32
        %sign3A_450 = arith.constant 0 : i32
        %sign3A_451 = arith.cmpi slt, %scan3A_444, %sign3A_450 : i32
        %sign3A_452 = arith.extui %sign3A_451 : i1 to i32
        %sign3A_453 = arith.subi %sign3A_449, %sign3A_452 : i32
        %sign3A_454 = arith.constant 0 : i32
        %sign3A_455 = arith.cmpi sgt, %jit3A_445, %sign3A_454 : i32
        %sign3A_456 = arith.extui %sign3A_455 : i1 to i32
        %sign3A_457 = arith.constant 0 : i32
        %sign3A_458 = arith.cmpi slt, %jit3A_445, %sign3A_457 : i32
        %sign3A_459 = arith.extui %sign3A_458 : i1 to i32
        %sign3A_460 = arith.subi %sign3A_456, %sign3A_459 : i32
        %ne3A_461 = arith.cmpi ne, %sign3A_453, %sign3A_460 : i32
        %rem3A_462 = arith.remsi %scan3A_444, %jit3A_445 : i32
        %ne3A_463 = arith.constant 0 : i32
        %ne3A_464 = arith.cmpi ne, %rem3A_462, %ne3A_463 : i32
        %and3A_465 = arith.andi %ne3A_461, %ne3A_464 : i1
        %sub3A_466 = arith.constant 1 : i32
        %sub3A_467 = arith.subi %div3A_446, %sub3A_466 : i32
        %select_n3A_468 = arith.select %and3A_465, %sub3A_467, %div3A_446 : i32
        %jit3A_469 = arith.constant 64 : i32
        %eq3A_470 = arith.constant 0 : i32
        %eq3A_471 = arith.cmpi eq, %jit3A_469, %eq3A_470 : i32
        %jit3A_472 = arith.constant 1 : i32
        %select_n3A_473 = arith.select %eq3A_471, %jit3A_472, %jit3A_469 : i32
        %rem3A_474 = arith.remsi %scan3A_444, %select_n3A_473 : i32
        %ne3A_475 = arith.constant 0 : i32
        %ne3A_476 = arith.cmpi ne, %rem3A_474, %ne3A_475 : i32
        %lt3A_477 = arith.constant 0 : i32
        %lt3A_478 = arith.cmpi slt, %rem3A_474, %lt3A_477 : i32
        %lt3A_479 = arith.constant 0 : i32
        %lt3A_480 = arith.cmpi slt, %select_n3A_473, %lt3A_479 : i32
        %ne3A_481 = arith.xori %lt3A_478, %lt3A_480 : i1
        %and3A_482 = arith.andi %ne3A_481, %ne3A_476 : i1
        %add3A_483 = arith.addi %rem3A_474, %select_n3A_473 : i32
        %select_n3A_484 = arith.select %and3A_482, %add3A_483, %rem3A_474 : i32
        %mul3A_485 = arith.constant 16 : i32
        %mul3A_486 = arith.muli %select_n3A_484, %mul3A_485 : i32
        %get3A_487 = arith.constant 0 : i32
        %get3A_488 = arith.index_cast %get3A_487 : i32 to index
        %get3A_489 = arith.index_cast %select_n3A_468 : i32 to index
        %get3A_490 = arith.index_cast %mul3A_486 : i32 to index
        %get3A_491 = tpu.vector_load %arg9[%get3A_488, %get3A_489, %get3A_490] {strides = array<i32>} : memref<2x16x1024xf32, #tpu.memory_space<vmem>>, vector<1x1x16xf32>,
        %get3A_492 = vector.shape_cast %get3A_491 : vector<1x1x16xf32> to vector<16xf32>
        %get3A_493 = arith.constant 0 : i32
        %get3A_494 = arith.index_cast %get3A_493 : i32 to index
        %get3A_495 = arith.index_cast %select_n3A_468 : i32 to index
        %get3A_496 = arith.index_cast %mul3A_486 : i32 to index
        %get3A_497 = tpu.vector_load %arg10[%get3A_494, %get3A_495, %get3A_496] {strides = array<i32>} : memref<2x16x1024xf32, #tpu.memory_space<vmem>>, vector<1x1x16xf32>,
        %get3A_498 = vector.shape_cast %get3A_497 : vector<1x1x16xf32> to vector<16xf32>
        %add3A_499 = arith.addf %get3A_492, %get3A_498 : vector<16xf32>
        %swap3A_500 = arith.constant 0 : i32
        %swap3A_501 = arith.index_cast %swap3A_500 : i32 to index
        %swap3A_502 = arith.index_cast %select_n3A_468 : i32 to index
        %swap3A_503 = arith.index_cast %mul3A_486 : i32 to index
        %swap3A_504 = tpu.vector_load %arg11[%swap3A_501, %swap3A_502, %swap3A_503] {strides = array<i32>} : memref<2x16x1024xf32, #tpu.memory_space<vmem>>, vector<1x1x16xf32>,
        %swap3A_505 = vector.shape_cast %swap3A_504 : vector<1x1x16xf32> to vector<16xf32>
        %swap3A_506 = vector.shape_cast %add3A_499 : vector<16xf32> to vector<1x1x16xf32>
        tpu.vector_store %arg11[%swap3A_501, %swap3A_502, %swap3A_503], %swap3A_506 {strides = array<i32>} : memref<2x16x1024xf32, #tpu.memory_space<vmem>>, vector<1x1x16xf32>,
        %scan3A_507 = arith.constant 0 : i32
        %scan3A_508 = arith.constant 5 : i32
        %scan3A_509 = arith.addi %scan3A_194, %scan3A_508 : i32
        %jit3A_510 = arith.constant 64 : i32
        %div3A_511 = arith.divsi %scan3A_509, %jit3A_510 : i32
        %sign3A_512 = arith.constant 0 : i32
        %sign3A_513 = arith.cmpi sgt, %scan3A_509, %sign3A_512 : i32
        %sign3A_514 = arith.extui %sign3A_513 : i1 to i32
        %sign3A_515 = arith.constant 0 : i32
        %sign3A_516 = arith.cmpi slt, %scan3A_509, %sign3A_515 : i32
        %sign3A_517 = arith.extui %sign3A_516 : i1 to i32
        %sign3A_518 = arith.subi %sign3A_514, %sign3A_517 : i32
        %sign3A_519 = arith.constant 0 : i32
        %sign3A_520 = arith.cmpi sgt, %jit3A_510, %sign3A_519 : i32
        %sign3A_521 = arith.extui %sign3A_520 : i1 to i32
        %sign3A_522 = arith.constant 0 : i32
        %sign3A_523 = arith.cmpi slt, %jit3A_510, %sign3A_522 : i32
        %sign3A_524 = arith.extui %sign3A_523 : i1 to i32
        %sign3A_525 = arith.subi %sign3A_521, %sign3A_524 : i32
        %ne3A_526 = arith.cmpi ne, %sign3A_518, %sign3A_525 : i32
        %rem3A_527 = arith.remsi %scan3A_509, %jit3A_510 : i32
        %ne3A_528 = arith.constant 0 : i32
        %ne3A_529 = arith.cmpi ne, %rem3A_527, %ne3A_528 : i32
        %and3A_530 = arith.andi %ne3A_526, %ne3A_529 : i1
        %sub3A_531 = arith.constant 1 : i32
        %sub3A_532 = arith.subi %div3A_511, %sub3A_531 : i32
        %select_n3A_533 = arith.select %and3A_530, %sub3A_532, %div3A_511 : i32
        %jit3A_534 = arith.constant 64 : i32
        %eq3A_535 = arith.constant 0 : i32
        %eq3A_536 = arith.cmpi eq, %jit3A_534, %eq3A_535 : i32
        %jit3A_537 = arith.constant 1 : i32
        %select_n3A_538 = arith.select %eq3A_536, %jit3A_537, %jit3A_534 : i32
        %rem3A_539 = arith.remsi %scan3A_509, %select_n3A_538 : i32
        %ne3A_540 = arith.constant 0 : i32
        %ne3A_541 = arith.cmpi ne, %rem3A_539, %ne3A_540 : i32
        %lt3A_542 = arith.constant 0 : i32
        %lt3A_543 = arith.cmpi slt, %rem3A_539, %lt3A_542 : i32
        %lt3A_544 = arith.constant 0 : i32
        %lt3A_545 = arith.cmpi slt, %select_n3A_538, %lt3A_544 : i32
        %ne3A_546 = arith.xori %lt3A_543, %lt3A_545 : i1
        %and3A_547 = arith.andi %ne3A_546, %ne3A_541 : i1
        %add3A_548 = arith.addi %rem3A_539, %select_n3A_538 : i32
        %select_n3A_549 = arith.select %and3A_547, %add3A_548, %rem3A_539 : i32
        %mul3A_550 = arith.constant 16 : i32
        %mul3A_551 = arith.muli %select_n3A_549, %mul3A_550 : i32
        %get3A_552 = arith.constant 0 : i32
        %get3A_553 = arith.index_cast %get3A_552 : i32 to index
        %get3A_554 = arith.index_cast %select_n3A_533 : i32 to index
        %get3A_555 = arith.index_cast %mul3A_551 : i32 to index
        %get3A_556 = tpu.vector_load %arg9[%get3A_553, %get3A_554, %get3A_555] {strides = array<i32>} : memref<2x16x1024xf32, #tpu.memory_space<vmem>>, vector<1x1x16xf32>,
        %get3A_557 = vector.shape_cast %get3A_556 : vector<1x1x16xf32> to vector<16xf32>
        %get3A_558 = arith.constant 0 : i32
        %get3A_559 = arith.index_cast %get3A_558 : i32 to index
        %get3A_560 = arith.index_cast %select_n3A_533 : i32 to index
        %get3A_561 = arith.index_cast %mul3A_551 : i32 to index
        %get3A_562 = tpu.vector_load %arg10[%get3A_559, %get3A_560, %get3A_561] {strides = array<i32>} : memref<2x16x1024xf32, #tpu.memory_space<vmem>>, vector<1x1x16xf32>,
        %get3A_563 = vector.shape_cast %get3A_562 : vector<1x1x16xf32> to vector<16xf32>
        %add3A_564 = arith.addf %get3A_557, %get3A_563 : vector<16xf32>
        %swap3A_565 = arith.constant 0 : i32
        %swap3A_566 = arith.index_cast %swap3A_565 : i32 to index
        %swap3A_567 = arith.index_cast %select_n3A_533 : i32 to index
        %swap3A_568 = arith.index_cast %mul3A_551 : i32 to index
        %swap3A_569 = tpu.vector_load %arg11[%swap3A_566, %swap3A_567, %swap3A_568] {strides = array<i32>} : memref<2x16x1024xf32, #tpu.memory_space<vmem>>, vector<1x1x16xf32>,
        %swap3A_570 = vector.shape_cast %swap3A_569 : vector<1x1x16xf32> to vector<16xf32>
        %swap3A_571 = vector.shape_cast %add3A_564 : vector<16xf32> to vector<1x1x16xf32>
        tpu.vector_store %arg11[%swap3A_566, %swap3A_567, %swap3A_568], %swap3A_571 {strides = array<i32>} : memref<2x16x1024xf32, #tpu.memory_space<vmem>>, vector<1x1x16xf32>,
        %scan3A_572 = arith.constant 0 : i32
        %scan3A_573 = arith.constant 6 : i32
        %scan3A_574 = arith.addi %scan3A_194, %scan3A_573 : i32
        %jit3A_575 = arith.constant 64 : i32
        %div3A_576 = arith.divsi %scan3A_574, %jit3A_575 : i32
        %sign3A_577 = arith.constant 0 : i32
        %sign3A_578 = arith.cmpi sgt, %scan3A_574, %sign3A_577 : i32
        %sign3A_579 = arith.extui %sign3A_578 : i1 to i32
        %sign3A_580 = arith.constant 0 : i32
        %sign3A_581 = arith.cmpi slt, %scan3A_574, %sign3A_580 : i32
        %sign3A_582 = arith.extui %sign3A_581 : i1 to i32
        %sign3A_583 = arith.subi %sign3A_579, %sign3A_582 : i32
        %sign3A_584 = arith.constant 0 : i32
        %sign3A_585 = arith.cmpi sgt, %jit3A_575, %sign3A_584 : i32
        %sign3A_586 = arith.extui %sign3A_585 : i1 to i32
        %sign3A_587 = arith.constant 0 : i32
        %sign3A_588 = arith.cmpi slt, %jit3A_575, %sign3A_587 : i32
        %sign3A_589 = arith.extui %sign3A_588 : i1 to i32
        %sign3A_590 = arith.subi %sign3A_586, %sign3A_589 : i32
        %ne3A_591 = arith.cmpi ne, %sign3A_583, %sign3A_590 : i32
        %rem3A_592 = arith.remsi %scan3A_574, %jit3A_575 : i32
        %ne3A_593 = arith.constant 0 : i32
        %ne3A_594 = arith.cmpi ne, %rem3A_592, %ne3A_593 : i32
        %and3A_595 = arith.andi %ne3A_591, %ne3A_594 : i1
        %sub3A_596 = arith.constant 1 : i32
        %sub3A_597 = arith.subi %div3A_576, %sub3A_596 : i32
        %select_n3A_598 = arith.select %and3A_595, %sub3A_597, %div3A_576 : i32
        %jit3A_599 = arith.constant 64 : i32
        %eq3A_600 = arith.constant 0 : i32
        %eq3A_601 = arith.cmpi eq, %jit3A_599, %eq3A_600 : i32
        %jit3A_602 = arith.constant 1 : i32
        %select_n3A_603 = arith.select %eq3A_601, %jit3A_602, %jit3A_599 : i32
        %rem3A_604 = arith.remsi %scan3A_574, %select_n3A_603 : i32
        %ne3A_605 = arith.constant 0 : i32
        %ne3A_606 = arith.cmpi ne, %rem3A_604, %ne3A_605 : i32
        %lt3A_607 = arith.constant 0 : i32
        %lt3A_608 = arith.cmpi slt, %rem3A_604, %lt3A_607 : i32
        %lt3A_609 = arith.constant 0 : i32
        %lt3A_610 = arith.cmpi slt, %select_n3A_603, %lt3A_609 : i32
        %ne3A_611 = arith.xori %lt3A_608, %lt3A_610 : i1
        %and3A_612 = arith.andi %ne3A_611, %ne3A_606 : i1
        %add3A_613 = arith.addi %rem3A_604, %select_n3A_603 : i32
        %select_n3A_614 = arith.select %and3A_612, %add3A_613, %rem3A_604 : i32
        %mul3A_615 = arith.constant 16 : i32
        %mul3A_616 = arith.muli %select_n3A_614, %mul3A_615 : i32
        %get3A_617 = arith.constant 0 : i32
        %get3A_618 = arith.index_cast %get3A_617 : i32 to index
        %get3A_619 = arith.index_cast %select_n3A_598 : i32 to index
        %get3A_620 = arith.index_cast %mul3A_616 : i32 to index
        %get3A_621 = tpu.vector_load %arg9[%get3A_618, %get3A_619, %get3A_620] {strides = array<i32>} : memref<2x16x1024xf32, #tpu.memory_space<vmem>>, vector<1x1x16xf32>,
        %get3A_622 = vector.shape_cast %get3A_621 : vector<1x1x16xf32> to vector<16xf32>
        %get3A_623 = arith.constant 0 : i32
        %get3A_624 = arith.index_cast %get3A_623 : i32 to index
        %get3A_625 = arith.index_cast %select_n3A_598 : i32 to index
        %get3A_626 = arith.index_cast %mul3A_616 : i32 to index
        %get3A_627 = tpu.vector_load %arg10[%get3A_624, %get3A_625, %get3A_626] {strides = array<i32>} : memref<2x16x1024xf32, #tpu.memory_space<vmem>>, vector<1x1x16xf32>,
        %get3A_628 = vector.shape_cast %get3A_627 : vector<1x1x16xf32> to vector<16xf32>
        %add3A_629 = arith.addf %get3A_622, %get3A_628 : vector<16xf32>
        %swap3A_630 = arith.constant 0 : i32
        %swap3A_631 = arith.index_cast %swap3A_630 : i32 to index
        %swap3A_632 = arith.index_cast %select_n3A_598 : i32 to index
        %swap3A_633 = arith.index_cast %mul3A_616 : i32 to index
        %swap3A_634 = tpu.vector_load %arg11[%swap3A_631, %swap3A_632, %swap3A_633] {strides = array<i32>} : memref<2x16x1024xf32, #tpu.memory_space<vmem>>, vector<1x1x16xf32>,
        %swap3A_635 = vector.shape_cast %swap3A_634 : vector<1x1x16xf32> to vector<16xf32>
        %swap3A_636 = vector.shape_cast %add3A_629 : vector<16xf32> to vector<1x1x16xf32>
        tpu.vector_store %arg11[%swap3A_631, %swap3A_632, %swap3A_633], %swap3A_636 {strides = array<i32>} : memref<2x16x1024xf32, #tpu.memory_space<vmem>>, vector<1x1x16xf32>,
        %scan3A_637 = arith.constant 0 : i32
        %scan3A_638 = arith.constant 7 : i32
        %scan3A_639 = arith.addi %scan3A_194, %scan3A_638 : i32
        %jit3A_640 = arith.constant 64 : i32
        %div3A_641 = arith.divsi %scan3A_639, %jit3A_640 : i32
        %sign3A_642 = arith.constant 0 : i32
        %sign3A_643 = arith.cmpi sgt, %scan3A_639, %sign3A_642 : i32
        %sign3A_644 = arith.extui %sign3A_643 : i1 to i32
        %sign3A_645 = arith.constant 0 : i32
        %sign3A_646 = arith.cmpi slt, %scan3A_639, %sign3A_645 : i32
        %sign3A_647 = arith.extui %sign3A_646 : i1 to i32
        %sign3A_648 = arith.subi %sign3A_644, %sign3A_647 : i32
        %sign3A_649 = arith.constant 0 : i32
        %sign3A_650 = arith.cmpi sgt, %jit3A_640, %sign3A_649 : i32
        %sign3A_651 = arith.extui %sign3A_650 : i1 to i32
        %sign3A_652 = arith.constant 0 : i32
        %sign3A_653 = arith.cmpi slt, %jit3A_640, %sign3A_652 : i32
        %sign3A_654 = arith.extui %sign3A_653 : i1 to i32
        %sign3A_655 = arith.subi %sign3A_651, %sign3A_654 : i32
        %ne3A_656 = arith.cmpi ne, %sign3A_648, %sign3A_655 : i32
        %rem3A_657 = arith.remsi %scan3A_639, %jit3A_640 : i32
        %ne3A_658 = arith.constant 0 : i32
        %ne3A_659 = arith.cmpi ne, %rem3A_657, %ne3A_658 : i32
        %and3A_660 = arith.andi %ne3A_656, %ne3A_659 : i1
        %sub3A_661 = arith.constant 1 : i32
        %sub3A_662 = arith.subi %div3A_641, %sub3A_661 : i32
        %select_n3A_663 = arith.select %and3A_660, %sub3A_662, %div3A_641 : i32
        %jit3A_664 = arith.constant 64 : i32
        %eq3A_665 = arith.constant 0 : i32
        %eq3A_666 = arith.cmpi eq, %jit3A_664, %eq3A_665 : i32
        %jit3A_667 = arith.constant 1 : i32
        %select_n3A_668 = arith.select %eq3A_666, %jit3A_667, %jit3A_664 : i32
        %rem3A_669 = arith.remsi %scan3A_639, %select_n3A_668 : i32
        %ne3A_670 = arith.constant 0 : i32
        %ne3A_671 = arith.cmpi ne, %rem3A_669, %ne3A_670 : i32
        %lt3A_672 = arith.constant 0 : i32
        %lt3A_673 = arith.cmpi slt, %rem3A_669, %lt3A_672 : i32
        %lt3A_674 = arith.constant 0 : i32
        %lt3A_675 = arith.cmpi slt, %select_n3A_668, %lt3A_674 : i32
        %ne3A_676 = arith.xori %lt3A_673, %lt3A_675 : i1
        %and3A_677 = arith.andi %ne3A_676, %ne3A_671 : i1
        %add3A_678 = arith.addi %rem3A_669, %select_n3A_668 : i32
        %select_n3A_679 = arith.select %and3A_677, %add3A_678, %rem3A_669 : i32
        %mul3A_680 = arith.constant 16 : i32
        %mul3A_681 = arith.muli %select_n3A_679, %mul3A_680 : i32
        %get3A_682 = arith.constant 0 : i32
        %get3A_683 = arith.index_cast %get3A_682 : i32 to index
        %get3A_684 = arith.index_cast %select_n3A_663 : i32 to index
        %get3A_685 = arith.index_cast %mul3A_681 : i32 to index
        %get3A_686 = tpu.vector_load %arg9[%get3A_683, %get3A_684, %get3A_685] {strides = array<i32>} : memref<2x16x1024xf32, #tpu.memory_space<vmem>>, vector<1x1x16xf32>,
        %get3A_687 = vector.shape_cast %get3A_686 : vector<1x1x16xf32> to vector<16xf32>
        %get3A_688 = arith.constant 0 : i32
        %get3A_689 = arith.index_cast %get3A_688 : i32 to index
        %get3A_690 = arith.index_cast %select_n3A_663 : i32 to index
        %get3A_691 = arith.index_cast %mul3A_681 : i32 to index
        %get3A_692 = tpu.vector_load %arg10[%get3A_689, %get3A_690, %get3A_691] {strides = array<i32>} : memref<2x16x1024xf32, #tpu.memory_space<vmem>>, vector<1x1x16xf32>,
        %get3A_693 = vector.shape_cast %get3A_692 : vector<1x1x16xf32> to vector<16xf32>
        %add3A_694 = arith.addf %get3A_687, %get3A_693 : vector<16xf32>
        %swap3A_695 = arith.constant 0 : i32
        %swap3A_696 = arith.index_cast %swap3A_695 : i32 to index
        %swap3A_697 = arith.index_cast %select_n3A_663 : i32 to index
        %swap3A_698 = arith.index_cast %mul3A_681 : i32 to index
        %swap3A_699 = tpu.vector_load %arg11[%swap3A_696, %swap3A_697, %swap3A_698] {strides = array<i32>} : memref<2x16x1024xf32, #tpu.memory_space<vmem>>, vector<1x1x16xf32>,
        %swap3A_700 = vector.shape_cast %swap3A_699 : vector<1x1x16xf32> to vector<16xf32>
        %swap3A_701 = vector.shape_cast %add3A_694 : vector<16xf32> to vector<1x1x16xf32>
        tpu.vector_store %arg11[%swap3A_696, %swap3A_697, %swap3A_698], %swap3A_701 {strides = array<i32>} : memref<2x16x1024xf32, #tpu.memory_space<vmem>>, vector<1x1x16xf32>,
        %scan3A_702 = arith.constant 0 : i32
        scf.yield %scan3A_702 : i32
      }
      %scan3A_111 = arith.constant 1024 : i32
      %mul3A_112 = arith.constant 16 : i32
      %mul3A_113 = arith.muli %add3A_82, %mul3A_112 : i32
      %add3A_114 = arith.addi %mul3A_2, %mul3A_113 : i32
      %dma_start3A_115 = arith.constant 0 : i32
      %dma_start3A_116 = arith.constant 0 : i32
      %dma_start3A_117 = arith.constant 0 : i32
      %dma_start3A_118 = tpu.memref_slice %arg11[%dma_start3A_115, %dma_start3A_116, %dma_start3A_117] : memref<2x16x1024xf32, #tpu.memory_space<vmem>> -> memref<1x16x1024xf32, #tpu.memory_space<vmem>>
      %dma_start3A_119 = tpu.memref_squeeze %dma_start3A_118 : memref<1x16x1024xf32, #tpu.memory_space<vmem>> -> memref<16x1024xf32, #tpu.memory_space<vmem>>
      %dma_start3A_120 = arith.constant 0 : i32
      %dma_start3A_121 = tpu.memref_slice %arg6[%add3A_114, %dma_start3A_120] : memref<16384x1024xf32, #tpu.memory_space<hbm>> -> memref<16x1024xf32, #tpu.memory_space<hbm>>
      %dma_start3A_122 = arith.constant 0 : i32
      %dma_start3A_123 = tpu.memref_slice %arg6[%add3A_114, %dma_start3A_122] : memref<16384x1024xf32, #tpu.memory_space<hbm>> -> memref<16x1024xf32, #tpu.memory_space<hbm>>
      %dma_start3A_124 = arith.constant 0 : i32
      %dma_start3A_125 = arith.constant 0 : i32
      %dma_start3A_126 = tpu.memref_slice %arg11[%dma_start3A_115, %dma_start3A_124, %dma_start3A_125] : memref<2x16x1024xf32, #tpu.memory_space<vmem>> -> memref<1x16x1024xf32, #tpu.memory_space<vmem>>
      %dma_start3A_127 = tpu.memref_squeeze %dma_start3A_126 : memref<1x16x1024xf32, #tpu.memory_space<vmem>> -> memref<16x1024xf32, #tpu.memory_space<vmem>>
      tpu.enqueue_dma source(%dma_start3A_127 : memref<16x1024xf32, #tpu.memory_space<vmem>>) target(%dma_start3A_123 : memref<16x1024xf32, #tpu.memory_space<hbm>>) target_semaphore(%arg16 : memref<!tpu.dma_semaphore, #tpu.memory_space<semaphore_mem>>)
      %add3A_128 = arith.constant 2 : i32
      %add3A_129 = arith.addi %add3A_82, %add3A_128 : i32
      %lt3A = arith.constant 32 : i32
      %lt3A_130 = arith.cmpi slt, %add3A_129, %lt3A : i32
      %convert_element_type3A_131 = arith.extui %lt3A_130 : i1 to i32
      %cond3A_132 = arith.constant 0 : i32
      %cond3A_133 = arith.cmpi ne, %convert_element_type3A_131, %cond3A_132 : i32
      scf.if %cond3A_133 {
        %add3A_194 = arith.constant 2 : i32
        %add3A_195 = arith.addi %add3A_82, %add3A_194 : i32
        %mul3A_196 = arith.constant 16 : i32
        %mul3A_197 = arith.muli %add3A_195, %mul3A_196 : i32
        %dma_start3A_198 = arith.constant 0 : i32
        %dma_start3A_199 = arith.constant 0 : i32
        %dma_start3A_200 = arith.constant 0 : i32
        %dma_start3A_201 = tpu.memref_slice %arg9[%dma_start3A_198, %dma_start3A_199, %dma_start3A_200] : memref<2x16x1024xf32, #tpu.memory_space<vmem>> -> memref<1x16x1024xf32, #tpu.memory_space<vmem>>
        %dma_start3A_202 = tpu.memref_squeeze %dma_start3A_201 : memref<1x16x1024xf32, #tpu.memory_space<vmem>> -> memref<16x1024xf32, #tpu.memory_space<vmem>>
        %dma_start3A_203 = tpu.memref_slice %arg7[%mul3A_197] : memref<512xi32, #tpu.memory_space<vmem>> -> memref<16xi32, #tpu.memory_space<vmem>>
        %dma_start3A_204 = arith.constant 0 : i32
        %dma_start3A_205 = arith.constant 0 : i32
        %dma_start3A_206 = tpu.memref_slice %arg4[%dma_start3A_204, %dma_start3A_205] : memref<50304x1024xf32, #tpu.memory_space<hbm>> -> memref<50304x1024xf32, #tpu.memory_space<hbm>>
        tpu.enqueue_indirect_dma source(%dma_start3A_206 : memref<50304x1024xf32, #tpu.memory_space<hbm>>) target(%dma_start3A_202 : memref<16x1024xf32, #tpu.memory_space<vmem>>) offsets(%dma_start3A_203 : memref<16xi32, #tpu.memory_space<vmem>>) semaphore(%arg12 : memref<!tpu.dma_semaphore, #tpu.memory_space<semaphore_mem>>)
        %dma_start3A_207 = arith.constant 0 : i32
        %dma_start3A_208 = arith.constant 0 : i32
        %dma_start3A_209 = arith.constant 0 : i32
        %dma_start3A_210 = tpu.memref_slice %arg10[%dma_start3A_207, %dma_start3A_208, %dma_start3A_209] : memref<2x16x1024xf32, #tpu.memory_space<vmem>> -> memref<1x16x1024xf32, #tpu.memory_space<vmem>>
        %dma_start3A_211 = tpu.memref_squeeze %dma_start3A_210 : memref<1x16x1024xf32, #tpu.memory_space<vmem>> -> memref<16x1024xf32, #tpu.memory_space<vmem>>
        %dma_start3A_212 = tpu.memref_slice %arg8[%mul3A_197] : memref<512xi32, #tpu.memory_space<vmem>> -> memref<16xi32, #tpu.memory_space<vmem>>
        %dma_start3A_213 = arith.constant 0 : i32
        %dma_start3A_214 = arith.constant 0 : i32
        %dma_start3A_215 = tpu.memref_slice %arg5[%dma_start3A_213, %dma_start3A_214] : memref<4096x1024xf32, #tpu.memory_space<hbm>> -> memref<4096x1024xf32, #tpu.memory_space<hbm>>
        tpu.enqueue_indirect_dma source(%dma_start3A_215 : memref<4096x1024xf32, #tpu.memory_space<hbm>>) target(%dma_start3A_211 : memref<16x1024xf32, #tpu.memory_space<vmem>>) offsets(%dma_start3A_212 : memref<16xi32, #tpu.memory_space<vmem>>) semaphore(%arg14 : memref<!tpu.dma_semaphore, #tpu.memory_space<semaphore_mem>>)
      } else {
      }
      %mul3A_134 = arith.constant 2 : i32
      %mul3A_135 = arith.muli %scan3A_77, %mul3A_134 : i32
      %add3A_136 = arith.constant 1 : i32
      %add3A_137 = arith.addi %mul3A_135, %add3A_136 : i32
      %mul3A_138 = arith.constant 16 : i32
      %mul3A_139 = arith.muli %add3A_137, %mul3A_138 : i32
      %dma_wait3A_140 = arith.constant 1 : i32
      %dma_wait3A_141 = arith.constant 0 : i32
      %dma_wait3A_142 = arith.constant 0 : i32
      %dma_wait3A_143 = tpu.memref_slice %arg9[%dma_wait3A_140, %dma_wait3A_141, %dma_wait3A_142] : memref<2x16x1024xf32, #tpu.memory_space<vmem>> -> memref<1x16x1024xf32, #tpu.memory_space<vmem>>
      %dma_wait3A_144 = tpu.memref_squeeze %dma_wait3A_143 : memref<1x16x1024xf32, #tpu.memory_space<vmem>> -> memref<16x1024xf32, #tpu.memory_space<vmem>>
      %dma_wait3A_145 = tpu.memref_slice %arg7[%mul3A_139] : memref<512xi32, #tpu.memory_space<vmem>> -> memref<16xi32, #tpu.memory_space<vmem>>
      %dma_wait3A_146 = arith.constant 0 : i32
      %dma_wait3A_147 = arith.constant 0 : i32
      %dma_wait3A_148 = tpu.memref_slice %arg4[%dma_wait3A_146, %dma_wait3A_147] : memref<50304x1024xf32, #tpu.memory_space<hbm>> -> memref<50304x1024xf32, #tpu.memory_space<hbm>>
      tpu.wait_indirect_dma semaphore(%arg13 : memref<!tpu.dma_semaphore, #tpu.memory_space<semaphore_mem>>) src(%dma_wait3A_148 : memref<50304x1024xf32, #tpu.memory_space<hbm>>) dst(%dma_wait3A_144 : memref<16x1024xf32, #tpu.memory_space<vmem>>)
      %dma_wait3A_149 = arith.constant 1 : i32
      %dma_wait3A_150 = arith.constant 0 : i32
      %dma_wait3A_151 = arith.constant 0 : i32
      %dma_wait3A_152 = tpu.memref_slice %arg10[%dma_wait3A_149, %dma_wait3A_150, %dma_wait3A_151] : memref<2x16x1024xf32, #tpu.memory_space<vmem>> -> memref<1x16x1024xf32, #tpu.memory_space<vmem>>
      %dma_wait3A_153 = tpu.memref_squeeze %dma_wait3A_152 : memref<1x16x1024xf32, #tpu.memory_space<vmem>> -> memref<16x1024xf32, #tpu.memory_space<vmem>>
      %dma_wait3A_154 = tpu.memref_slice %arg8[%mul3A_139] : memref<512xi32, #tpu.memory_space<vmem>> -> memref<16xi32, #tpu.memory_space<vmem>>
      %dma_wait3A_155 = arith.constant 0 : i32
      %dma_wait3A_156 = arith.constant 0 : i32
      %dma_wait3A_157 = tpu.memref_slice %arg5[%dma_wait3A_155, %dma_wait3A_156] : memref<4096x1024xf32, #tpu.memory_space<hbm>> -> memref<4096x1024xf32, #tpu.memory_space<hbm>>
      tpu.wait_indirect_dma semaphore(%arg15 : memref<!tpu.dma_semaphore, #tpu.memory_space<semaphore_mem>>) src(%dma_wait3A_157 : memref<4096x1024xf32, #tpu.memory_space<hbm>>) dst(%dma_wait3A_153 : memref<16x1024xf32, #tpu.memory_space<vmem>>)
      %ge3A_158 = arith.constant 2 : i32
      %ge3A_159 = arith.cmpi sge, %add3A_137, %ge3A_158 : i32
      %convert_element_type3A_160 = arith.extui %ge3A_159 : i1 to i32
      %cond3A_161 = arith.constant 0 : i32
      %cond3A_162 = arith.cmpi ne, %convert_element_type3A_160, %cond3A_161 : i32
      scf.if %cond3A_162 {
        %sub3A = arith.constant 2 : i32
        %sub3A_194 = arith.subi %add3A_137, %sub3A : i32
        %mul3A_195 = arith.constant 16 : i32
        %mul3A_196 = arith.muli %sub3A_194, %mul3A_195 : i32
        %add3A_197 = arith.addi %mul3A_2, %mul3A_196 : i32
        %dma_wait3A_198 = arith.constant 1 : i32
        %dma_wait3A_199 = arith.constant 0 : i32
        %dma_wait3A_200 = arith.constant 0 : i32
        %dma_wait3A_201 = tpu.memref_slice %arg11[%dma_wait3A_198, %dma_wait3A_199, %dma_wait3A_200] : memref<2x16x1024xf32, #tpu.memory_space<vmem>> -> memref<1x16x1024xf32, #tpu.memory_space<vmem>>
        %dma_wait3A_202 = tpu.memref_squeeze %dma_wait3A_201 : memref<1x16x1024xf32, #tpu.memory_space<vmem>> -> memref<16x1024xf32, #tpu.memory_space<vmem>>
        %dma_wait3A_203 = arith.constant 0 : i32
        %dma_wait3A_204 = tpu.memref_slice %arg6[%add3A_197, %dma_wait3A_203] : memref<16384x1024xf32, #tpu.memory_space<hbm>> -> memref<16x1024xf32, #tpu.memory_space<hbm>>
        %dma_wait3A_205 = arith.constant 0 : i32
        %dma_wait3A_206 = tpu.memref_slice %arg6[%add3A_197, %dma_wait3A_205] : memref<16384x1024xf32, #tpu.memory_space<hbm>> -> memref<16x1024xf32, #tpu.memory_space<hbm>>
        %dma_wait3A_207 = arith.constant 0 : i32
        %dma_wait3A_208 = arith.constant 0 : i32
        %dma_wait3A_209 = tpu.memref_slice %arg11[%dma_wait3A_198, %dma_wait3A_207, %dma_wait3A_208] : memref<2x16x1024xf32, #tpu.memory_space<vmem>> -> memref<1x16x1024xf32, #tpu.memory_space<vmem>>
        %dma_wait3A_210 = tpu.memref_squeeze %dma_wait3A_209 : memref<1x16x1024xf32, #tpu.memory_space<vmem>> -> memref<16x1024xf32, #tpu.memory_space<vmem>>
        tpu.wait_dma2 semaphore(%arg17 : memref<!tpu.dma_semaphore, #tpu.memory_space<semaphore_mem>>) src(%dma_wait3A_210 : memref<16x1024xf32, #tpu.memory_space<vmem>>) dst(%dma_wait3A_206 : memref<16x1024xf32, #tpu.memory_space<hbm>>)
      } else {
      }
      %scan3A_163 = arith.constant 0 : i32
      %scan3A_164 = arith.constant 0 : i32
      %scan3A_165 = arith.constant 1024 : i32
      %scan3A_166 = arith.addi %scan3A_164, %scan3A_165 : i32
      %scan3A_167 = arith.constant 8 : i32
      %scan3A_168 = scf.for %scan3A_194 = %scan3A_164 to %scan3A_166 step %scan3A_167 iter_args(%scan3A_195 = %scan3A_163) -> (i32)  : i32 {
        %jit3A = arith.constant 64 : i32
        %div3A = arith.divsi %scan3A_194, %jit3A : i32
        %sign3A = arith.constant 0 : i32
        %sign3A_196 = arith.cmpi sgt, %scan3A_194, %sign3A : i32
        %sign3A_197 = arith.extui %sign3A_196 : i1 to i32
        %sign3A_198 = arith.constant 0 : i32
        %sign3A_199 = arith.cmpi slt, %scan3A_194, %sign3A_198 : i32
        %sign3A_200 = arith.extui %sign3A_199 : i1 to i32
        %sign3A_201 = arith.subi %sign3A_197, %sign3A_200 : i32
        %sign3A_202 = arith.constant 0 : i32
        %sign3A_203 = arith.cmpi sgt, %jit3A, %sign3A_202 : i32
        %sign3A_204 = arith.extui %sign3A_203 : i1 to i32
        %sign3A_205 = arith.constant 0 : i32
        %sign3A_206 = arith.cmpi slt, %jit3A, %sign3A_205 : i32
        %sign3A_207 = arith.extui %sign3A_206 : i1 to i32
        %sign3A_208 = arith.subi %sign3A_204, %sign3A_207 : i32
        %ne3A = arith.cmpi ne, %sign3A_201, %sign3A_208 : i32
        %rem3A = arith.remsi %scan3A_194, %jit3A : i32
        %ne3A_209 = arith.constant 0 : i32
        %ne3A_210 = arith.cmpi ne, %rem3A, %ne3A_209 : i32
        %and3A = arith.andi %ne3A, %ne3A_210 : i1
        %sub3A = arith.constant 1 : i32
        %sub3A_211 = arith.subi %div3A, %sub3A : i32
        %select_n3A = arith.select %and3A, %sub3A_211, %div3A : i32
        %jit3A_212 = arith.constant 64 : i32
        %eq3A = arith.constant 0 : i32
        %eq3A_213 = arith.cmpi eq, %jit3A_212, %eq3A : i32
        %jit3A_214 = arith.constant 1 : i32
        %select_n3A_215 = arith.select %eq3A_213, %jit3A_214, %jit3A_212 : i32
        %rem3A_216 = arith.remsi %scan3A_194, %select_n3A_215 : i32
        %ne3A_217 = arith.constant 0 : i32
        %ne3A_218 = arith.cmpi ne, %rem3A_216, %ne3A_217 : i32
        %lt3A_219 = arith.constant 0 : i32
        %lt3A_220 = arith.cmpi slt, %rem3A_216, %lt3A_219 : i32
        %lt3A_221 = arith.constant 0 : i32
        %lt3A_222 = arith.cmpi slt, %select_n3A_215, %lt3A_221 : i32
        %ne3A_223 = arith.xori %lt3A_220, %lt3A_222 : i1
        %and3A_224 = arith.andi %ne3A_223, %ne3A_218 : i1
        %add3A_225 = arith.addi %rem3A_216, %select_n3A_215 : i32
        %select_n3A_226 = arith.select %and3A_224, %add3A_225, %rem3A_216 : i32
        %mul3A_227 = arith.constant 16 : i32
        %mul3A_228 = arith.muli %select_n3A_226, %mul3A_227 : i32
        %get3A = arith.constant 1 : i32
        %get3A_229 = arith.index_cast %get3A : i32 to index
        %get3A_230 = arith.index_cast %select_n3A : i32 to index
        %get3A_231 = arith.index_cast %mul3A_228 : i32 to index
        %get3A_232 = tpu.vector_load %arg9[%get3A_229, %get3A_230, %get3A_231] {strides = array<i32>} : memref<2x16x1024xf32, #tpu.memory_space<vmem>>, vector<1x1x16xf32>,
        %get3A_233 = vector.shape_cast %get3A_232 : vector<1x1x16xf32> to vector<16xf32>
        %get3A_234 = arith.constant 1 : i32
        %get3A_235 = arith.index_cast %get3A_234 : i32 to index
        %get3A_236 = arith.index_cast %select_n3A : i32 to index
        %get3A_237 = arith.index_cast %mul3A_228 : i32 to index
        %get3A_238 = tpu.vector_load %arg10[%get3A_235, %get3A_236, %get3A_237] {strides = array<i32>} : memref<2x16x1024xf32, #tpu.memory_space<vmem>>, vector<1x1x16xf32>,
        %get3A_239 = vector.shape_cast %get3A_238 : vector<1x1x16xf32> to vector<16xf32>
        %add3A_240 = arith.addf %get3A_233, %get3A_239 : vector<16xf32>
        %swap3A = arith.constant 1 : i32
        %swap3A_241 = arith.index_cast %swap3A : i32 to index
        %swap3A_242 = arith.index_cast %select_n3A : i32 to index
        %swap3A_243 = arith.index_cast %mul3A_228 : i32 to index
        %swap3A_244 = tpu.vector_load %arg11[%swap3A_241, %swap3A_242, %swap3A_243] {strides = array<i32>} : memref<2x16x1024xf32, #tpu.memory_space<vmem>>, vector<1x1x16xf32>,
        %swap3A_245 = vector.shape_cast %swap3A_244 : vector<1x1x16xf32> to vector<16xf32>
        %swap3A_246 = vector.shape_cast %add3A_240 : vector<16xf32> to vector<1x1x16xf32>
        tpu.vector_store %arg11[%swap3A_241, %swap3A_242, %swap3A_243], %swap3A_246 {strides = array<i32>} : memref<2x16x1024xf32, #tpu.memory_space<vmem>>, vector<1x1x16xf32>,
        %scan3A_247 = arith.constant 0 : i32
        %scan3A_248 = arith.constant 1 : i32
        %scan3A_249 = arith.addi %scan3A_194, %scan3A_248 : i32
        %jit3A_250 = arith.constant 64 : i32
        %div3A_251 = arith.divsi %scan3A_249, %jit3A_250 : i32
        %sign3A_252 = arith.constant 0 : i32
        %sign3A_253 = arith.cmpi sgt, %scan3A_249, %sign3A_252 : i32
        %sign3A_254 = arith.extui %sign3A_253 : i1 to i32
        %sign3A_255 = arith.constant 0 : i32
        %sign3A_256 = arith.cmpi slt, %scan3A_249, %sign3A_255 : i32
        %sign3A_257 = arith.extui %sign3A_256 : i1 to i32
        %sign3A_258 = arith.subi %sign3A_254, %sign3A_257 : i32
        %sign3A_259 = arith.constant 0 : i32
        %sign3A_260 = arith.cmpi sgt, %jit3A_250, %sign3A_259 : i32
        %sign3A_261 = arith.extui %sign3A_260 : i1 to i32
        %sign3A_262 = arith.constant 0 : i32
        %sign3A_263 = arith.cmpi slt, %jit3A_250, %sign3A_262 : i32
        %sign3A_264 = arith.extui %sign3A_263 : i1 to i32
        %sign3A_265 = arith.subi %sign3A_261, %sign3A_264 : i32
        %ne3A_266 = arith.cmpi ne, %sign3A_258, %sign3A_265 : i32
        %rem3A_267 = arith.remsi %scan3A_249, %jit3A_250 : i32
        %ne3A_268 = arith.constant 0 : i32
        %ne3A_269 = arith.cmpi ne, %rem3A_267, %ne3A_268 : i32
        %and3A_270 = arith.andi %ne3A_266, %ne3A_269 : i1
        %sub3A_271 = arith.constant 1 : i32
        %sub3A_272 = arith.subi %div3A_251, %sub3A_271 : i32
        %select_n3A_273 = arith.select %and3A_270, %sub3A_272, %div3A_251 : i32
        %jit3A_274 = arith.constant 64 : i32
        %eq3A_275 = arith.constant 0 : i32
        %eq3A_276 = arith.cmpi eq, %jit3A_274, %eq3A_275 : i32
        %jit3A_277 = arith.constant 1 : i32
        %select_n3A_278 = arith.select %eq3A_276, %jit3A_277, %jit3A_274 : i32
        %rem3A_279 = arith.remsi %scan3A_249, %select_n3A_278 : i32
        %ne3A_280 = arith.constant 0 : i32
        %ne3A_281 = arith.cmpi ne, %rem3A_279, %ne3A_280 : i32
        %lt3A_282 = arith.constant 0 : i32
        %lt3A_283 = arith.cmpi slt, %rem3A_279, %lt3A_282 : i32
        %lt3A_284 = arith.constant 0 : i32
        %lt3A_285 = arith.cmpi slt, %select_n3A_278, %lt3A_284 : i32
        %ne3A_286 = arith.xori %lt3A_283, %lt3A_285 : i1
        %and3A_287 = arith.andi %ne3A_286, %ne3A_281 : i1
        %add3A_288 = arith.addi %rem3A_279, %select_n3A_278 : i32
        %select_n3A_289 = arith.select %and3A_287, %add3A_288, %rem3A_279 : i32
        %mul3A_290 = arith.constant 16 : i32
        %mul3A_291 = arith.muli %select_n3A_289, %mul3A_290 : i32
        %get3A_292 = arith.constant 1 : i32
        %get3A_293 = arith.index_cast %get3A_292 : i32 to index
        %get3A_294 = arith.index_cast %select_n3A_273 : i32 to index
        %get3A_295 = arith.index_cast %mul3A_291 : i32 to index
        %get3A_296 = tpu.vector_load %arg9[%get3A_293, %get3A_294, %get3A_295] {strides = array<i32>} : memref<2x16x1024xf32, #tpu.memory_space<vmem>>, vector<1x1x16xf32>,
        %get3A_297 = vector.shape_cast %get3A_296 : vector<1x1x16xf32> to vector<16xf32>
        %get3A_298 = arith.constant 1 : i32
        %get3A_299 = arith.index_cast %get3A_298 : i32 to index
        %get3A_300 = arith.index_cast %select_n3A_273 : i32 to index
        %get3A_301 = arith.index_cast %mul3A_291 : i32 to index
        %get3A_302 = tpu.vector_load %arg10[%get3A_299, %get3A_300, %get3A_301] {strides = array<i32>} : memref<2x16x1024xf32, #tpu.memory_space<vmem>>, vector<1x1x16xf32>,
        %get3A_303 = vector.shape_cast %get3A_302 : vector<1x1x16xf32> to vector<16xf32>
        %add3A_304 = arith.addf %get3A_297, %get3A_303 : vector<16xf32>
        %swap3A_305 = arith.constant 1 : i32
        %swap3A_306 = arith.index_cast %swap3A_305 : i32 to index
        %swap3A_307 = arith.index_cast %select_n3A_273 : i32 to index
        %swap3A_308 = arith.index_cast %mul3A_291 : i32 to index
        %swap3A_309 = tpu.vector_load %arg11[%swap3A_306, %swap3A_307, %swap3A_308] {strides = array<i32>} : memref<2x16x1024xf32, #tpu.memory_space<vmem>>, vector<1x1x16xf32>,
        %swap3A_310 = vector.shape_cast %swap3A_309 : vector<1x1x16xf32> to vector<16xf32>
        %swap3A_311 = vector.shape_cast %add3A_304 : vector<16xf32> to vector<1x1x16xf32>
        tpu.vector_store %arg11[%swap3A_306, %swap3A_307, %swap3A_308], %swap3A_311 {strides = array<i32>} : memref<2x16x1024xf32, #tpu.memory_space<vmem>>, vector<1x1x16xf32>,
        %scan3A_312 = arith.constant 0 : i32
        %scan3A_313 = arith.constant 2 : i32
        %scan3A_314 = arith.addi %scan3A_194, %scan3A_313 : i32
        %jit3A_315 = arith.constant 64 : i32
        %div3A_316 = arith.divsi %scan3A_314, %jit3A_315 : i32
        %sign3A_317 = arith.constant 0 : i32
        %sign3A_318 = arith.cmpi sgt, %scan3A_314, %sign3A_317 : i32
        %sign3A_319 = arith.extui %sign3A_318 : i1 to i32
        %sign3A_320 = arith.constant 0 : i32
        %sign3A_321 = arith.cmpi slt, %scan3A_314, %sign3A_320 : i32
        %sign3A_322 = arith.extui %sign3A_321 : i1 to i32
        %sign3A_323 = arith.subi %sign3A_319, %sign3A_322 : i32
        %sign3A_324 = arith.constant 0 : i32
        %sign3A_325 = arith.cmpi sgt, %jit3A_315, %sign3A_324 : i32
        %sign3A_326 = arith.extui %sign3A_325 : i1 to i32
        %sign3A_327 = arith.constant 0 : i32
        %sign3A_328 = arith.cmpi slt, %jit3A_315, %sign3A_327 : i32
        %sign3A_329 = arith.extui %sign3A_328 : i1 to i32
        %sign3A_330 = arith.subi %sign3A_326, %sign3A_329 : i32
        %ne3A_331 = arith.cmpi ne, %sign3A_323, %sign3A_330 : i32
        %rem3A_332 = arith.remsi %scan3A_314, %jit3A_315 : i32
        %ne3A_333 = arith.constant 0 : i32
        %ne3A_334 = arith.cmpi ne, %rem3A_332, %ne3A_333 : i32
        %and3A_335 = arith.andi %ne3A_331, %ne3A_334 : i1
        %sub3A_336 = arith.constant 1 : i32
        %sub3A_337 = arith.subi %div3A_316, %sub3A_336 : i32
        %select_n3A_338 = arith.select %and3A_335, %sub3A_337, %div3A_316 : i32
        %jit3A_339 = arith.constant 64 : i32
        %eq3A_340 = arith.constant 0 : i32
        %eq3A_341 = arith.cmpi eq, %jit3A_339, %eq3A_340 : i32
        %jit3A_342 = arith.constant 1 : i32
        %select_n3A_343 = arith.select %eq3A_341, %jit3A_342, %jit3A_339 : i32
        %rem3A_344 = arith.remsi %scan3A_314, %select_n3A_343 : i32
        %ne3A_345 = arith.constant 0 : i32
        %ne3A_346 = arith.cmpi ne, %rem3A_344, %ne3A_345 : i32
        %lt3A_347 = arith.constant 0 : i32
        %lt3A_348 = arith.cmpi slt, %rem3A_344, %lt3A_347 : i32
        %lt3A_349 = arith.constant 0 : i32
        %lt3A_350 = arith.cmpi slt, %select_n3A_343, %lt3A_349 : i32
        %ne3A_351 = arith.xori %lt3A_348, %lt3A_350 : i1
        %and3A_352 = arith.andi %ne3A_351, %ne3A_346 : i1
        %add3A_353 = arith.addi %rem3A_344, %select_n3A_343 : i32
        %select_n3A_354 = arith.select %and3A_352, %add3A_353, %rem3A_344 : i32
        %mul3A_355 = arith.constant 16 : i32
        %mul3A_356 = arith.muli %select_n3A_354, %mul3A_355 : i32
        %get3A_357 = arith.constant 1 : i32
        %get3A_358 = arith.index_cast %get3A_357 : i32 to index
        %get3A_359 = arith.index_cast %select_n3A_338 : i32 to index
        %get3A_360 = arith.index_cast %mul3A_356 : i32 to index
        %get3A_361 = tpu.vector_load %arg9[%get3A_358, %get3A_359, %get3A_360] {strides = array<i32>} : memref<2x16x1024xf32, #tpu.memory_space<vmem>>, vector<1x1x16xf32>,
        %get3A_362 = vector.shape_cast %get3A_361 : vector<1x1x16xf32> to vector<16xf32>
        %get3A_363 = arith.constant 1 : i32
        %get3A_364 = arith.index_cast %get3A_363 : i32 to index
        %get3A_365 = arith.index_cast %select_n3A_338 : i32 to index
        %get3A_366 = arith.index_cast %mul3A_356 : i32 to index
        %get3A_367 = tpu.vector_load %arg10[%get3A_364, %get3A_365, %get3A_366] {strides = array<i32>} : memref<2x16x1024xf32, #tpu.memory_space<vmem>>, vector<1x1x16xf32>,
        %get3A_368 = vector.shape_cast %get3A_367 : vector<1x1x16xf32> to vector<16xf32>
        %add3A_369 = arith.addf %get3A_362, %get3A_368 : vector<16xf32>
        %swap3A_370 = arith.constant 1 : i32
        %swap3A_371 = arith.index_cast %swap3A_370 : i32 to index
        %swap3A_372 = arith.index_cast %select_n3A_338 : i32 to index
        %swap3A_373 = arith.index_cast %mul3A_356 : i32 to index
        %swap3A_374 = tpu.vector_load %arg11[%swap3A_371, %swap3A_372, %swap3A_373] {strides = array<i32>} : memref<2x16x1024xf32, #tpu.memory_space<vmem>>, vector<1x1x16xf32>,
        %swap3A_375 = vector.shape_cast %swap3A_374 : vector<1x1x16xf32> to vector<16xf32>
        %swap3A_376 = vector.shape_cast %add3A_369 : vector<16xf32> to vector<1x1x16xf32>
        tpu.vector_store %arg11[%swap3A_371, %swap3A_372, %swap3A_373], %swap3A_376 {strides = array<i32>} : memref<2x16x1024xf32, #tpu.memory_space<vmem>>, vector<1x1x16xf32>,
        %scan3A_377 = arith.constant 0 : i32
        %scan3A_378 = arith.constant 3 : i32
        %scan3A_379 = arith.addi %scan3A_194, %scan3A_378 : i32
        %jit3A_380 = arith.constant 64 : i32
        %div3A_381 = arith.divsi %scan3A_379, %jit3A_380 : i32
        %sign3A_382 = arith.constant 0 : i32
        %sign3A_383 = arith.cmpi sgt, %scan3A_379, %sign3A_382 : i32
        %sign3A_384 = arith.extui %sign3A_383 : i1 to i32
        %sign3A_385 = arith.constant 0 : i32
        %sign3A_386 = arith.cmpi slt, %scan3A_379, %sign3A_385 : i32
        %sign3A_387 = arith.extui %sign3A_386 : i1 to i32
        %sign3A_388 = arith.subi %sign3A_384, %sign3A_387 : i32
        %sign3A_389 = arith.constant 0 : i32
        %sign3A_390 = arith.cmpi sgt, %jit3A_380, %sign3A_389 : i32
        %sign3A_391 = arith.extui %sign3A_390 : i1 to i32
        %sign3A_392 = arith.constant 0 : i32
        %sign3A_393 = arith.cmpi slt, %jit3A_380, %sign3A_392 : i32
        %sign3A_394 = arith.extui %sign3A_393 : i1 to i32
        %sign3A_395 = arith.subi %sign3A_391, %sign3A_394 : i32
        %ne3A_396 = arith.cmpi ne, %sign3A_388, %sign3A_395 : i32
        %rem3A_397 = arith.remsi %scan3A_379, %jit3A_380 : i32
        %ne3A_398 = arith.constant 0 : i32
        %ne3A_399 = arith.cmpi ne, %rem3A_397, %ne3A_398 : i32
        %and3A_400 = arith.andi %ne3A_396, %ne3A_399 : i1
        %sub3A_401 = arith.constant 1 : i32
        %sub3A_402 = arith.subi %div3A_381, %sub3A_401 : i32
        %select_n3A_403 = arith.select %and3A_400, %sub3A_402, %div3A_381 : i32
        %jit3A_404 = arith.constant 64 : i32
        %eq3A_405 = arith.constant 0 : i32
        %eq3A_406 = arith.cmpi eq, %jit3A_404, %eq3A_405 : i32
        %jit3A_407 = arith.constant 1 : i32
        %select_n3A_408 = arith.select %eq3A_406, %jit3A_407, %jit3A_404 : i32
        %rem3A_409 = arith.remsi %scan3A_379, %select_n3A_408 : i32
        %ne3A_410 = arith.constant 0 : i32
        %ne3A_411 = arith.cmpi ne, %rem3A_409, %ne3A_410 : i32
        %lt3A_412 = arith.constant 0 : i32
        %lt3A_413 = arith.cmpi slt, %rem3A_409, %lt3A_412 : i32
        %lt3A_414 = arith.constant 0 : i32
        %lt3A_415 = arith.cmpi slt, %select_n3A_408, %lt3A_414 : i32
        %ne3A_416 = arith.xori %lt3A_413, %lt3A_415 : i1
        %and3A_417 = arith.andi %ne3A_416, %ne3A_411 : i1
        %add3A_418 = arith.addi %rem3A_409, %select_n3A_408 : i32
        %select_n3A_419 = arith.select %and3A_417, %add3A_418, %rem3A_409 : i32
        %mul3A_420 = arith.constant 16 : i32
        %mul3A_421 = arith.muli %select_n3A_419, %mul3A_420 : i32
        %get3A_422 = arith.constant 1 : i32
        %get3A_423 = arith.index_cast %get3A_422 : i32 to index
        %get3A_424 = arith.index_cast %select_n3A_403 : i32 to index
        %get3A_425 = arith.index_cast %mul3A_421 : i32 to index
        %get3A_426 = tpu.vector_load %arg9[%get3A_423, %get3A_424, %get3A_425] {strides = array<i32>} : memref<2x16x1024xf32, #tpu.memory_space<vmem>>, vector<1x1x16xf32>,
        %get3A_427 = vector.shape_cast %get3A_426 : vector<1x1x16xf32> to vector<16xf32>
        %get3A_428 = arith.constant 1 : i32
        %get3A_429 = arith.index_cast %get3A_428 : i32 to index
        %get3A_430 = arith.index_cast %select_n3A_403 : i32 to index
        %get3A_431 = arith.index_cast %mul3A_421 : i32 to index
        %get3A_432 = tpu.vector_load %arg10[%get3A_429, %get3A_430, %get3A_431] {strides = array<i32>} : memref<2x16x1024xf32, #tpu.memory_space<vmem>>, vector<1x1x16xf32>,
        %get3A_433 = vector.shape_cast %get3A_432 : vector<1x1x16xf32> to vector<16xf32>
        %add3A_434 = arith.addf %get3A_427, %get3A_433 : vector<16xf32>
        %swap3A_435 = arith.constant 1 : i32
        %swap3A_436 = arith.index_cast %swap3A_435 : i32 to index
        %swap3A_437 = arith.index_cast %select_n3A_403 : i32 to index
        %swap3A_438 = arith.index_cast %mul3A_421 : i32 to index
        %swap3A_439 = tpu.vector_load %arg11[%swap3A_436, %swap3A_437, %swap3A_438] {strides = array<i32>} : memref<2x16x1024xf32, #tpu.memory_space<vmem>>, vector<1x1x16xf32>,
        %swap3A_440 = vector.shape_cast %swap3A_439 : vector<1x1x16xf32> to vector<16xf32>
        %swap3A_441 = vector.shape_cast %add3A_434 : vector<16xf32> to vector<1x1x16xf32>
        tpu.vector_store %arg11[%swap3A_436, %swap3A_437, %swap3A_438], %swap3A_441 {strides = array<i32>} : memref<2x16x1024xf32, #tpu.memory_space<vmem>>, vector<1x1x16xf32>,
        %scan3A_442 = arith.constant 0 : i32
        %scan3A_443 = arith.constant 4 : i32
        %scan3A_444 = arith.addi %scan3A_194, %scan3A_443 : i32
        %jit3A_445 = arith.constant 64 : i32
        %div3A_446 = arith.divsi %scan3A_444, %jit3A_445 : i32
        %sign3A_447 = arith.constant 0 : i32
        %sign3A_448 = arith.cmpi sgt, %scan3A_444, %sign3A_447 : i32
        %sign3A_449 = arith.extui %sign3A_448 : i1 to i32
        %sign3A_450 = arith.constant 0 : i32
        %sign3A_451 = arith.cmpi slt, %scan3A_444, %sign3A_450 : i32
        %sign3A_452 = arith.extui %sign3A_451 : i1 to i32
        %sign3A_453 = arith.subi %sign3A_449, %sign3A_452 : i32
        %sign3A_454 = arith.constant 0 : i32
        %sign3A_455 = arith.cmpi sgt, %jit3A_445, %sign3A_454 : i32
        %sign3A_456 = arith.extui %sign3A_455 : i1 to i32
        %sign3A_457 = arith.constant 0 : i32
        %sign3A_458 = arith.cmpi slt, %jit3A_445, %sign3A_457 : i32
        %sign3A_459 = arith.extui %sign3A_458 : i1 to i32
        %sign3A_460 = arith.subi %sign3A_456, %sign3A_459 : i32
        %ne3A_461 = arith.cmpi ne, %sign3A_453, %sign3A_460 : i32
        %rem3A_462 = arith.remsi %scan3A_444, %jit3A_445 : i32
        %ne3A_463 = arith.constant 0 : i32
        %ne3A_464 = arith.cmpi ne, %rem3A_462, %ne3A_463 : i32
        %and3A_465 = arith.andi %ne3A_461, %ne3A_464 : i1
        %sub3A_466 = arith.constant 1 : i32
        %sub3A_467 = arith.subi %div3A_446, %sub3A_466 : i32
        %select_n3A_468 = arith.select %and3A_465, %sub3A_467, %div3A_446 : i32
        %jit3A_469 = arith.constant 64 : i32
        %eq3A_470 = arith.constant 0 : i32
        %eq3A_471 = arith.cmpi eq, %jit3A_469, %eq3A_470 : i32
        %jit3A_472 = arith.constant 1 : i32
        %select_n3A_473 = arith.select %eq3A_471, %jit3A_472, %jit3A_469 : i32
        %rem3A_474 = arith.remsi %scan3A_444, %select_n3A_473 : i32
        %ne3A_475 = arith.constant 0 : i32
        %ne3A_476 = arith.cmpi ne, %rem3A_474, %ne3A_475 : i32
        %lt3A_477 = arith.constant 0 : i32
        %lt3A_478 = arith.cmpi slt, %rem3A_474, %lt3A_477 : i32
        %lt3A_479 = arith.constant 0 : i32
        %lt3A_480 = arith.cmpi slt, %select_n3A_473, %lt3A_479 : i32
        %ne3A_481 = arith.xori %lt3A_478, %lt3A_480 : i1
        %and3A_482 = arith.andi %ne3A_481, %ne3A_476 : i1
        %add3A_483 = arith.addi %rem3A_474, %select_n3A_473 : i32
        %select_n3A_484 = arith.select %and3A_482, %add3A_483, %rem3A_474 : i32
        %mul3A_485 = arith.constant 16 : i32
        %mul3A_486 = arith.muli %select_n3A_484, %mul3A_485 : i32
        %get3A_487 = arith.constant 1 : i32
        %get3A_488 = arith.index_cast %get3A_487 : i32 to index
        %get3A_489 = arith.index_cast %select_n3A_468 : i32 to index
        %get3A_490 = arith.index_cast %mul3A_486 : i32 to index
        %get3A_491 = tpu.vector_load %arg9[%get3A_488, %get3A_489, %get3A_490] {strides = array<i32>} : memref<2x16x1024xf32, #tpu.memory_space<vmem>>, vector<1x1x16xf32>,
        %get3A_492 = vector.shape_cast %get3A_491 : vector<1x1x16xf32> to vector<16xf32>
        %get3A_493 = arith.constant 1 : i32
        %get3A_494 = arith.index_cast %get3A_493 : i32 to index
        %get3A_495 = arith.index_cast %select_n3A_468 : i32 to index
        %get3A_496 = arith.index_cast %mul3A_486 : i32 to index
        %get3A_497 = tpu.vector_load %arg10[%get3A_494, %get3A_495, %get3A_496] {strides = array<i32>} : memref<2x16x1024xf32, #tpu.memory_space<vmem>>, vector<1x1x16xf32>,
        %get3A_498 = vector.shape_cast %get3A_497 : vector<1x1x16xf32> to vector<16xf32>
        %add3A_499 = arith.addf %get3A_492, %get3A_498 : vector<16xf32>
        %swap3A_500 = arith.constant 1 : i32
        %swap3A_501 = arith.index_cast %swap3A_500 : i32 to index
        %swap3A_502 = arith.index_cast %select_n3A_468 : i32 to index
        %swap3A_503 = arith.index_cast %mul3A_486 : i32 to index
        %swap3A_504 = tpu.vector_load %arg11[%swap3A_501, %swap3A_502, %swap3A_503] {strides = array<i32>} : memref<2x16x1024xf32, #tpu.memory_space<vmem>>, vector<1x1x16xf32>,
        %swap3A_505 = vector.shape_cast %swap3A_504 : vector<1x1x16xf32> to vector<16xf32>
        %swap3A_506 = vector.shape_cast %add3A_499 : vector<16xf32> to vector<1x1x16xf32>
        tpu.vector_store %arg11[%swap3A_501, %swap3A_502, %swap3A_503], %swap3A_506 {strides = array<i32>} : memref<2x16x1024xf32, #tpu.memory_space<vmem>>, vector<1x1x16xf32>,
        %scan3A_507 = arith.constant 0 : i32
        %scan3A_508 = arith.constant 5 : i32
        %scan3A_509 = arith.addi %scan3A_194, %scan3A_508 : i32
        %jit3A_510 = arith.constant 64 : i32
        %div3A_511 = arith.divsi %scan3A_509, %jit3A_510 : i32
        %sign3A_512 = arith.constant 0 : i32
        %sign3A_513 = arith.cmpi sgt, %scan3A_509, %sign3A_512 : i32
        %sign3A_514 = arith.extui %sign3A_513 : i1 to i32
        %sign3A_515 = arith.constant 0 : i32
        %sign3A_516 = arith.cmpi slt, %scan3A_509, %sign3A_515 : i32
        %sign3A_517 = arith.extui %sign3A_516 : i1 to i32
        %sign3A_518 = arith.subi %sign3A_514, %sign3A_517 : i32
        %sign3A_519 = arith.constant 0 : i32
        %sign3A_520 = arith.cmpi sgt, %jit3A_510, %sign3A_519 : i32
        %sign3A_521 = arith.extui %sign3A_520 : i1 to i32
        %sign3A_522 = arith.constant 0 : i32
        %sign3A_523 = arith.cmpi slt, %jit3A_510, %sign3A_522 : i32
        %sign3A_524 = arith.extui %sign3A_523 : i1 to i32
        %sign3A_525 = arith.subi %sign3A_521, %sign3A_524 : i32
        %ne3A_526 = arith.cmpi ne, %sign3A_518, %sign3A_525 : i32
        %rem3A_527 = arith.remsi %scan3A_509, %jit3A_510 : i32
        %ne3A_528 = arith.constant 0 : i32
        %ne3A_529 = arith.cmpi ne, %rem3A_527, %ne3A_528 : i32
        %and3A_530 = arith.andi %ne3A_526, %ne3A_529 : i1
        %sub3A_531 = arith.constant 1 : i32
        %sub3A_532 = arith.subi %div3A_511, %sub3A_531 : i32
        %select_n3A_533 = arith.select %and3A_530, %sub3A_532, %div3A_511 : i32
        %jit3A_534 = arith.constant 64 : i32
        %eq3A_535 = arith.constant 0 : i32
        %eq3A_536 = arith.cmpi eq, %jit3A_534, %eq3A_535 : i32
        %jit3A_537 = arith.constant 1 : i32
        %select_n3A_538 = arith.select %eq3A_536, %jit3A_537, %jit3A_534 : i32
        %rem3A_539 = arith.remsi %scan3A_509, %select_n3A_538 : i32
        %ne3A_540 = arith.constant 0 : i32
        %ne3A_541 = arith.cmpi ne, %rem3A_539, %ne3A_540 : i32
        %lt3A_542 = arith.constant 0 : i32
        %lt3A_543 = arith.cmpi slt, %rem3A_539, %lt3A_542 : i32
        %lt3A_544 = arith.constant 0 : i32
        %lt3A_545 = arith.cmpi slt, %select_n3A_538, %lt3A_544 : i32
        %ne3A_546 = arith.xori %lt3A_543, %lt3A_545 : i1
        %and3A_547 = arith.andi %ne3A_546, %ne3A_541 : i1
        %add3A_548 = arith.addi %rem3A_539, %select_n3A_538 : i32
        %select_n3A_549 = arith.select %and3A_547, %add3A_548, %rem3A_539 : i32
        %mul3A_550 = arith.constant 16 : i32
        %mul3A_551 = arith.muli %select_n3A_549, %mul3A_550 : i32
        %get3A_552 = arith.constant 1 : i32
        %get3A_553 = arith.index_cast %get3A_552 : i32 to index
        %get3A_554 = arith.index_cast %select_n3A_533 : i32 to index
        %get3A_555 = arith.index_cast %mul3A_551 : i32 to index
        %get3A_556 = tpu.vector_load %arg9[%get3A_553, %get3A_554, %get3A_555] {strides = array<i32>} : memref<2x16x1024xf32, #tpu.memory_space<vmem>>, vector<1x1x16xf32>,
        %get3A_557 = vector.shape_cast %get3A_556 : vector<1x1x16xf32> to vector<16xf32>
        %get3A_558 = arith.constant 1 : i32
        %get3A_559 = arith.index_cast %get3A_558 : i32 to index
        %get3A_560 = arith.index_cast %select_n3A_533 : i32 to index
        %get3A_561 = arith.index_cast %mul3A_551 : i32 to index
        %get3A_562 = tpu.vector_load %arg10[%get3A_559, %get3A_560, %get3A_561] {strides = array<i32>} : memref<2x16x1024xf32, #tpu.memory_space<vmem>>, vector<1x1x16xf32>,
        %get3A_563 = vector.shape_cast %get3A_562 : vector<1x1x16xf32> to vector<16xf32>
        %add3A_564 = arith.addf %get3A_557, %get3A_563 : vector<16xf32>
        %swap3A_565 = arith.constant 1 : i32
        %swap3A_566 = arith.index_cast %swap3A_565 : i32 to index
        %swap3A_567 = arith.index_cast %select_n3A_533 : i32 to index
        %swap3A_568 = arith.index_cast %mul3A_551 : i32 to index
        %swap3A_569 = tpu.vector_load %arg11[%swap3A_566, %swap3A_567, %swap3A_568] {strides = array<i32>} : memref<2x16x1024xf32, #tpu.memory_space<vmem>>, vector<1x1x16xf32>,
        %swap3A_570 = vector.shape_cast %swap3A_569 : vector<1x1x16xf32> to vector<16xf32>
        %swap3A_571 = vector.shape_cast %add3A_564 : vector<16xf32> to vector<1x1x16xf32>
        tpu.vector_store %arg11[%swap3A_566, %swap3A_567, %swap3A_568], %swap3A_571 {strides = array<i32>} : memref<2x16x1024xf32, #tpu.memory_space<vmem>>, vector<1x1x16xf32>,
        %scan3A_572 = arith.constant 0 : i32
        %scan3A_573 = arith.constant 6 : i32
        %scan3A_574 = arith.addi %scan3A_194, %scan3A_573 : i32
        %jit3A_575 = arith.constant 64 : i32
        %div3A_576 = arith.divsi %scan3A_574, %jit3A_575 : i32
        %sign3A_577 = arith.constant 0 : i32
        %sign3A_578 = arith.cmpi sgt, %scan3A_574, %sign3A_577 : i32
        %sign3A_579 = arith.extui %sign3A_578 : i1 to i32
        %sign3A_580 = arith.constant 0 : i32
        %sign3A_581 = arith.cmpi slt, %scan3A_574, %sign3A_580 : i32
        %sign3A_582 = arith.extui %sign3A_581 : i1 to i32
        %sign3A_583 = arith.subi %sign3A_579, %sign3A_582 : i32
        %sign3A_584 = arith.constant 0 : i32
        %sign3A_585 = arith.cmpi sgt, %jit3A_575, %sign3A_584 : i32
        %sign3A_586 = arith.extui %sign3A_585 : i1 to i32
        %sign3A_587 = arith.constant 0 : i32
        %sign3A_588 = arith.cmpi slt, %jit3A_575, %sign3A_587 : i32
        %sign3A_589 = arith.extui %sign3A_588 : i1 to i32
        %sign3A_590 = arith.subi %sign3A_586, %sign3A_589 : i32
        %ne3A_591 = arith.cmpi ne, %sign3A_583, %sign3A_590 : i32
        %rem3A_592 = arith.remsi %scan3A_574, %jit3A_575 : i32
        %ne3A_593 = arith.constant 0 : i32
        %ne3A_594 = arith.cmpi ne, %rem3A_592, %ne3A_593 : i32
        %and3A_595 = arith.andi %ne3A_591, %ne3A_594 : i1
        %sub3A_596 = arith.constant 1 : i32
        %sub3A_597 = arith.subi %div3A_576, %sub3A_596 : i32
        %select_n3A_598 = arith.select %and3A_595, %sub3A_597, %div3A_576 : i32
        %jit3A_599 = arith.constant 64 : i32
        %eq3A_600 = arith.constant 0 : i32
        %eq3A_601 = arith.cmpi eq, %jit3A_599, %eq3A_600 : i32
        %jit3A_602 = arith.constant 1 : i32
        %select_n3A_603 = arith.select %eq3A_601, %jit3A_602, %jit3A_599 : i32
        %rem3A_604 = arith.remsi %scan3A_574, %select_n3A_603 : i32
        %ne3A_605 = arith.constant 0 : i32
        %ne3A_606 = arith.cmpi ne, %rem3A_604, %ne3A_605 : i32
        %lt3A_607 = arith.constant 0 : i32
        %lt3A_608 = arith.cmpi slt, %rem3A_604, %lt3A_607 : i32
        %lt3A_609 = arith.constant 0 : i32
        %lt3A_610 = arith.cmpi slt, %select_n3A_603, %lt3A_609 : i32
        %ne3A_611 = arith.xori %lt3A_608, %lt3A_610 : i1
        %and3A_612 = arith.andi %ne3A_611, %ne3A_606 : i1
        %add3A_613 = arith.addi %rem3A_604, %select_n3A_603 : i32
        %select_n3A_614 = arith.select %and3A_612, %add3A_613, %rem3A_604 : i32
        %mul3A_615 = arith.constant 16 : i32
        %mul3A_616 = arith.muli %select_n3A_614, %mul3A_615 : i32
        %get3A_617 = arith.constant 1 : i32
        %get3A_618 = arith.index_cast %get3A_617 : i32 to index
        %get3A_619 = arith.index_cast %select_n3A_598 : i32 to index
        %get3A_620 = arith.index_cast %mul3A_616 : i32 to index
        %get3A_621 = tpu.vector_load %arg9[%get3A_618, %get3A_619, %get3A_620] {strides = array<i32>} : memref<2x16x1024xf32, #tpu.memory_space<vmem>>, vector<1x1x16xf32>,
        %get3A_622 = vector.shape_cast %get3A_621 : vector<1x1x16xf32> to vector<16xf32>
        %get3A_623 = arith.constant 1 : i32
        %get3A_624 = arith.index_cast %get3A_623 : i32 to index
        %get3A_625 = arith.index_cast %select_n3A_598 : i32 to index
        %get3A_626 = arith.index_cast %mul3A_616 : i32 to index
        %get3A_627 = tpu.vector_load %arg10[%get3A_624, %get3A_625, %get3A_626] {strides = array<i32>} : memref<2x16x1024xf32, #tpu.memory_space<vmem>>, vector<1x1x16xf32>,
        %get3A_628 = vector.shape_cast %get3A_627 : vector<1x1x16xf32> to vector<16xf32>
        %add3A_629 = arith.addf %get3A_622, %get3A_628 : vector<16xf32>
        %swap3A_630 = arith.constant 1 : i32
        %swap3A_631 = arith.index_cast %swap3A_630 : i32 to index
        %swap3A_632 = arith.index_cast %select_n3A_598 : i32 to index
        %swap3A_633 = arith.index_cast %mul3A_616 : i32 to index
        %swap3A_634 = tpu.vector_load %arg11[%swap3A_631, %swap3A_632, %swap3A_633] {strides = array<i32>} : memref<2x16x1024xf32, #tpu.memory_space<vmem>>, vector<1x1x16xf32>,
        %swap3A_635 = vector.shape_cast %swap3A_634 : vector<1x1x16xf32> to vector<16xf32>
        %swap3A_636 = vector.shape_cast %add3A_629 : vector<16xf32> to vector<1x1x16xf32>
        tpu.vector_store %arg11[%swap3A_631, %swap3A_632, %swap3A_633], %swap3A_636 {strides = array<i32>} : memref<2x16x1024xf32, #tpu.memory_space<vmem>>, vector<1x1x16xf32>,
        %scan3A_637 = arith.constant 0 : i32
        %scan3A_638 = arith.constant 7 : i32
        %scan3A_639 = arith.addi %scan3A_194, %scan3A_638 : i32
        %jit3A_640 = arith.constant 64 : i32
        %div3A_641 = arith.divsi %scan3A_639, %jit3A_640 : i32
        %sign3A_642 = arith.constant 0 : i32
        %sign3A_643 = arith.cmpi sgt, %scan3A_639, %sign3A_642 : i32
        %sign3A_644 = arith.extui %sign3A_643 : i1 to i32
        %sign3A_645 = arith.constant 0 : i32
        %sign3A_646 = arith.cmpi slt, %scan3A_639, %sign3A_645 : i32
        %sign3A_647 = arith.extui %sign3A_646 : i1 to i32
        %sign3A_648 = arith.subi %sign3A_644, %sign3A_647 : i32
        %sign3A_649 = arith.constant 0 : i32
        %sign3A_650 = arith.cmpi sgt, %jit3A_640, %sign3A_649 : i32
        %sign3A_651 = arith.extui %sign3A_650 : i1 to i32
        %sign3A_652 = arith.constant 0 : i32
        %sign3A_653 = arith.cmpi slt, %jit3A_640, %sign3A_652 : i32
        %sign3A_654 = arith.extui %sign3A_653 : i1 to i32
        %sign3A_655 = arith.subi %sign3A_651, %sign3A_654 : i32
        %ne3A_656 = arith.cmpi ne, %sign3A_648, %sign3A_655 : i32
        %rem3A_657 = arith.remsi %scan3A_639, %jit3A_640 : i32
        %ne3A_658 = arith.constant 0 : i32
        %ne3A_659 = arith.cmpi ne, %rem3A_657, %ne3A_658 : i32
        %and3A_660 = arith.andi %ne3A_656, %ne3A_659 : i1
        %sub3A_661 = arith.constant 1 : i32
        %sub3A_662 = arith.subi %div3A_641, %sub3A_661 : i32
        %select_n3A_663 = arith.select %and3A_660, %sub3A_662, %div3A_641 : i32
        %jit3A_664 = arith.constant 64 : i32
        %eq3A_665 = arith.constant 0 : i32
        %eq3A_666 = arith.cmpi eq, %jit3A_664, %eq3A_665 : i32
        %jit3A_667 = arith.constant 1 : i32
        %select_n3A_668 = arith.select %eq3A_666, %jit3A_667, %jit3A_664 : i32
        %rem3A_669 = arith.remsi %scan3A_639, %select_n3A_668 : i32
        %ne3A_670 = arith.constant 0 : i32
        %ne3A_671 = arith.cmpi ne, %rem3A_669, %ne3A_670 : i32
        %lt3A_672 = arith.constant 0 : i32
        %lt3A_673 = arith.cmpi slt, %rem3A_669, %lt3A_672 : i32
        %lt3A_674 = arith.constant 0 : i32
        %lt3A_675 = arith.cmpi slt, %select_n3A_668, %lt3A_674 : i32
        %ne3A_676 = arith.xori %lt3A_673, %lt3A_675 : i1
        %and3A_677 = arith.andi %ne3A_676, %ne3A_671 : i1
        %add3A_678 = arith.addi %rem3A_669, %select_n3A_668 : i32
        %select_n3A_679 = arith.select %and3A_677, %add3A_678, %rem3A_669 : i32
        %mul3A_680 = arith.constant 16 : i32
        %mul3A_681 = arith.muli %select_n3A_679, %mul3A_680 : i32
        %get3A_682 = arith.constant 1 : i32
        %get3A_683 = arith.index_cast %get3A_682 : i32 to index
        %get3A_684 = arith.index_cast %select_n3A_663 : i32 to index
        %get3A_685 = arith.index_cast %mul3A_681 : i32 to index
        %get3A_686 = tpu.vector_load %arg9[%get3A_683, %get3A_684, %get3A_685] {strides = array<i32>} : memref<2x16x1024xf32, #tpu.memory_space<vmem>>, vector<1x1x16xf32>,
        %get3A_687 = vector.shape_cast %get3A_686 : vector<1x1x16xf32> to vector<16xf32>
        %get3A_688 = arith.constant 1 : i32
        %get3A_689 = arith.index_cast %get3A_688 : i32 to index
        %get3A_690 = arith.index_cast %select_n3A_663 : i32 to index
        %get3A_691 = arith.index_cast %mul3A_681 : i32 to index
        %get3A_692 = tpu.vector_load %arg10[%get3A_689, %get3A_690, %get3A_691] {strides = array<i32>} : memref<2x16x1024xf32, #tpu.memory_space<vmem>>, vector<1x1x16xf32>,
        %get3A_693 = vector.shape_cast %get3A_692 : vector<1x1x16xf32> to vector<16xf32>
        %add3A_694 = arith.addf %get3A_687, %get3A_693 : vector<16xf32>
        %swap3A_695 = arith.constant 1 : i32
        %swap3A_696 = arith.index_cast %swap3A_695 : i32 to index
        %swap3A_697 = arith.index_cast %select_n3A_663 : i32 to index
        %swap3A_698 = arith.index_cast %mul3A_681 : i32 to index
        %swap3A_699 = tpu.vector_load %arg11[%swap3A_696, %swap3A_697, %swap3A_698] {strides = array<i32>} : memref<2x16x1024xf32, #tpu.memory_space<vmem>>, vector<1x1x16xf32>,
        %swap3A_700 = vector.shape_cast %swap3A_699 : vector<1x1x16xf32> to vector<16xf32>
        %swap3A_701 = vector.shape_cast %add3A_694 : vector<16xf32> to vector<1x1x16xf32>
        tpu.vector_store %arg11[%swap3A_696, %swap3A_697, %swap3A_698], %swap3A_701 {strides = array<i32>} : memref<2x16x1024xf32, #tpu.memory_space<vmem>>, vector<1x1x16xf32>,
        %scan3A_702 = arith.constant 0 : i32
        scf.yield %scan3A_702 : i32
      }
      %scan3A_169 = arith.constant 1024 : i32
      %mul3A_170 = arith.constant 16 : i32
      %mul3A_171 = arith.muli %add3A_137, %mul3A_170 : i32
      %add3A_172 = arith.addi %mul3A_2, %mul3A_171 : i32
      %dma_start3A_173 = arith.constant 1 : i32
      %dma_start3A_174 = arith.constant 0 : i32
      %dma_start3A_175 = arith.constant 0 : i32
      %dma_start3A_176 = tpu.memref_slice %arg11[%dma_start3A_173, %dma_start3A_174, %dma_start3A_175] : memref<2x16x1024xf32, #tpu.memory_space<vmem>> -> memref<1x16x1024xf32, #tpu.memory_space<vmem>>
      %dma_start3A_177 = tpu.memref_squeeze %dma_start3A_176 : memref<1x16x1024xf32, #tpu.memory_space<vmem>> -> memref<16x1024xf32, #tpu.memory_space<vmem>>
      %dma_start3A_178 = arith.constant 0 : i32
      %dma_start3A_179 = tpu.memref_slice %arg6[%add3A_172, %dma_start3A_178] : memref<16384x1024xf32, #tpu.memory_space<hbm>> -> memref<16x1024xf32, #tpu.memory_space<hbm>>
      %dma_start3A_180 = arith.constant 0 : i32
      %dma_start3A_181 = tpu.memref_slice %arg6[%add3A_172, %dma_start3A_180] : memref<16384x1024xf32, #tpu.memory_space<hbm>> -> memref<16x1024xf32, #tpu.memory_space<hbm>>
      %dma_start3A_182 = arith.constant 0 : i32
      %dma_start3A_183 = arith.constant 0 : i32
      %dma_start3A_184 = tpu.memref_slice %arg11[%dma_start3A_173, %dma_start3A_182, %dma_start3A_183] : memref<2x16x1024xf32, #tpu.memory_space<vmem>> -> memref<1x16x1024xf32, #tpu.memory_space<vmem>>
      %dma_start3A_185 = tpu.memref_squeeze %dma_start3A_184 : memref<1x16x1024xf32, #tpu.memory_space<vmem>> -> memref<16x1024xf32, #tpu.memory_space<vmem>>
      tpu.enqueue_dma source(%dma_start3A_185 : memref<16x1024xf32, #tpu.memory_space<vmem>>) target(%dma_start3A_181 : memref<16x1024xf32, #tpu.memory_space<hbm>>) target_semaphore(%arg17 : memref<!tpu.dma_semaphore, #tpu.memory_space<semaphore_mem>>)
      %add3A_186 = arith.constant 2 : i32
      %add3A_187 = arith.addi %add3A_137, %add3A_186 : i32
      %lt3A_188 = arith.constant 32 : i32
      %lt3A_189 = arith.cmpi slt, %add3A_187, %lt3A_188 : i32
      %convert_element_type3A_190 = arith.extui %lt3A_189 : i1 to i32
      %cond3A_191 = arith.constant 0 : i32
      %cond3A_192 = arith.cmpi ne, %convert_element_type3A_190, %cond3A_191 : i32
      scf.if %cond3A_192 {
        %add3A_194 = arith.constant 2 : i32
        %add3A_195 = arith.addi %add3A_137, %add3A_194 : i32
        %mul3A_196 = arith.constant 16 : i32
        %mul3A_197 = arith.muli %add3A_195, %mul3A_196 : i32
        %dma_start3A_198 = arith.constant 1 : i32
        %dma_start3A_199 = arith.constant 0 : i32
        %dma_start3A_200 = arith.constant 0 : i32
        %dma_start3A_201 = tpu.memref_slice %arg9[%dma_start3A_198, %dma_start3A_199, %dma_start3A_200] : memref<2x16x1024xf32, #tpu.memory_space<vmem>> -> memref<1x16x1024xf32, #tpu.memory_space<vmem>>
        %dma_start3A_202 = tpu.memref_squeeze %dma_start3A_201 : memref<1x16x1024xf32, #tpu.memory_space<vmem>> -> memref<16x1024xf32, #tpu.memory_space<vmem>>
        %dma_start3A_203 = tpu.memref_slice %arg7[%mul3A_197] : memref<512xi32, #tpu.memory_space<vmem>> -> memref<16xi32, #tpu.memory_space<vmem>>
        %dma_start3A_204 = arith.constant 0 : i32
        %dma_start3A_205 = arith.constant 0 : i32
        %dma_start3A_206 = tpu.memref_slice %arg4[%dma_start3A_204, %dma_start3A_205] : memref<50304x1024xf32, #tpu.memory_space<hbm>> -> memref<50304x1024xf32, #tpu.memory_space<hbm>>
        tpu.enqueue_indirect_dma source(%dma_start3A_206 : memref<50304x1024xf32, #tpu.memory_space<hbm>>) target(%dma_start3A_202 : memref<16x1024xf32, #tpu.memory_space<vmem>>) offsets(%dma_start3A_203 : memref<16xi32, #tpu.memory_space<vmem>>) semaphore(%arg13 : memref<!tpu.dma_semaphore, #tpu.memory_space<semaphore_mem>>)
        %dma_start3A_207 = arith.constant 1 : i32
        %dma_start3A_208 = arith.constant 0 : i32
        %dma_start3A_209 = arith.constant 0 : i32
        %dma_start3A_210 = tpu.memref_slice %arg10[%dma_start3A_207, %dma_start3A_208, %dma_start3A_209] : memref<2x16x1024xf32, #tpu.memory_space<vmem>> -> memref<1x16x1024xf32, #tpu.memory_space<vmem>>
        %dma_start3A_211 = tpu.memref_squeeze %dma_start3A_210 : memref<1x16x1024xf32, #tpu.memory_space<vmem>> -> memref<16x1024xf32, #tpu.memory_space<vmem>>
        %dma_start3A_212 = tpu.memref_slice %arg8[%mul3A_197] : memref<512xi32, #tpu.memory_space<vmem>> -> memref<16xi32, #tpu.memory_space<vmem>>
        %dma_start3A_213 = arith.constant 0 : i32
        %dma_start3A_214 = arith.constant 0 : i32
        %dma_start3A_215 = tpu.memref_slice %arg5[%dma_start3A_213, %dma_start3A_214] : memref<4096x1024xf32, #tpu.memory_space<hbm>> -> memref<4096x1024xf32, #tpu.memory_space<hbm>>
        tpu.enqueue_indirect_dma source(%dma_start3A_215 : memref<4096x1024xf32, #tpu.memory_space<hbm>>) target(%dma_start3A_211 : memref<16x1024xf32, #tpu.memory_space<vmem>>) offsets(%dma_start3A_212 : memref<16xi32, #tpu.memory_space<vmem>>) semaphore(%arg15 : memref<!tpu.dma_semaphore, #tpu.memory_space<semaphore_mem>>)
      } else {
      }
      %scan3A_193 = arith.constant 0 : i32
      scf.yield %scan3A_193 : i32
    }
    %scan3A_47 = arith.constant 16 : i32
    %add3A_48 = arith.constant 480 : i32
    %add3A_49 = arith.addi %mul3A_2, %add3A_48 : i32
    %dma_wait3A = arith.constant 0 : i32
    %dma_wait3A_50 = arith.constant 0 : i32
    %dma_wait3A_51 = arith.constant 0 : i32
    %dma_wait3A_52 = tpu.memref_slice %arg11[%dma_wait3A, %dma_wait3A_50, %dma_wait3A_51] : memref<2x16x1024xf32, #tpu.memory_space<vmem>> -> memref<1x16x1024xf32, #tpu.memory_space<vmem>>
    %dma_wait3A_53 = tpu.memref_squeeze %dma_wait3A_52 : memref<1x16x1024xf32, #tpu.memory_space<vmem>> -> memref<16x1024xf32, #tpu.memory_space<vmem>>
    %dma_wait3A_54 = arith.constant 0 : i32
    %dma_wait3A_55 = tpu.memref_slice %arg6[%add3A_49, %dma_wait3A_54] : memref<16384x1024xf32, #tpu.memory_space<hbm>> -> memref<16x1024xf32, #tpu.memory_space<hbm>>
    %dma_wait3A_56 = arith.constant 0 : i32
    %dma_wait3A_57 = tpu.memref_slice %arg6[%add3A_49, %dma_wait3A_56] : memref<16384x1024xf32, #tpu.memory_space<hbm>> -> memref<16x1024xf32, #tpu.memory_space<hbm>>
    %dma_wait3A_58 = arith.constant 0 : i32
    %dma_wait3A_59 = arith.constant 0 : i32
    %dma_wait3A_60 = tpu.memref_slice %arg11[%dma_wait3A, %dma_wait3A_58, %dma_wait3A_59] : memref<2x16x1024xf32, #tpu.memory_space<vmem>> -> memref<1x16x1024xf32, #tpu.memory_space<vmem>>
    %dma_wait3A_61 = tpu.memref_squeeze %dma_wait3A_60 : memref<1x16x1024xf32, #tpu.memory_space<vmem>> -> memref<16x1024xf32, #tpu.memory_space<vmem>>
    tpu.wait_dma2 semaphore(%arg16 : memref<!tpu.dma_semaphore, #tpu.memory_space<semaphore_mem>>) src(%dma_wait3A_61 : memref<16x1024xf32, #tpu.memory_space<vmem>>) dst(%dma_wait3A_57 : memref<16x1024xf32, #tpu.memory_space<hbm>>)
    %add3A_62 = arith.constant 496 : i32
    %add3A_63 = arith.addi %mul3A_2, %add3A_62 : i32
    %dma_wait3A_64 = arith.constant 1 : i32
    %dma_wait3A_65 = arith.constant 0 : i32
    %dma_wait3A_66 = arith.constant 0 : i32
    %dma_wait3A_67 = tpu.memref_slice %arg11[%dma_wait3A_64, %dma_wait3A_65, %dma_wait3A_66] : memref<2x16x1024xf32, #tpu.memory_space<vmem>> -> memref<1x16x1024xf32, #tpu.memory_space<vmem>>
    %dma_wait3A_68 = tpu.memref_squeeze %dma_wait3A_67 : memref<1x16x1024xf32, #tpu.memory_space<vmem>> -> memref<16x1024xf32, #tpu.memory_space<vmem>>
    %dma_wait3A_69 = arith.constant 0 : i32
    %dma_wait3A_70 = tpu.memref_slice %arg6[%add3A_63, %dma_wait3A_69] : memref<16384x1024xf32, #tpu.memory_space<hbm>> -> memref<16x1024xf32, #tpu.memory_space<hbm>>
    %dma_wait3A_71 = arith.constant 0 : i32
    %dma_wait3A_72 = tpu.memref_slice %arg6[%add3A_63, %dma_wait3A_71] : memref<16384x1024xf32, #tpu.memory_space<hbm>> -> memref<16x1024xf32, #tpu.memory_space<hbm>>
    %dma_wait3A_73 = arith.constant 0 : i32
    %dma_wait3A_74 = arith.constant 0 : i32
    %dma_wait3A_75 = tpu.memref_slice %arg11[%dma_wait3A_64, %dma_wait3A_73, %dma_wait3A_74] : memref<2x16x1024xf32, #tpu.memory_space<vmem>> -> memref<1x16x1024xf32, #tpu.memory_space<vmem>>
    %dma_wait3A_76 = tpu.memref_squeeze %dma_wait3A_75 : memref<1x16x1024xf32, #tpu.memory_space<vmem>> -> memref<16x1024xf32, #tpu.memory_space<vmem>>
    tpu.wait_dma2 semaphore(%arg17 : memref<!tpu.dma_semaphore, #tpu.memory_space<semaphore_mem>>) src(%dma_wait3A_76 : memref<16x1024xf32, #tpu.memory_space<vmem>>) dst(%dma_wait3A_72 : memref<16x1024xf32, #tpu.memory_space<hbm>>)
    return
  }
}

</mosaic_0001>

<sc_bundles>
// kernel: kernel.3.cloned.1.call-start
scs
__scs_entry_jumppad:
0x0: {  	(pc) =	sbr.rel $0x88, $3  }
0x1: {  	(tag) =	ssettag $0x0;
	lr =	simm.s32 $0x1  }
0x2: {  	[smem:$0x3F9D] =	sst lr;
	_ =	strace $0xD0000000  }
0x3: {  	_ = 	snop  }
0x4: {  	_ = 	snop  }
0x5: {  	_ = 	snop  }
0x6: {  	_ = 	snop  }
0x7: {  	_ = 	snop  }
__scs_overlays_trampoline_lowered:
0x8: {  	[smem:$0x3FAC] =	sst s0  }
0x9: {  	[smem:$0x3FAD] =	sst s1  }
0xa: {  	[smem:$0x3FAE] =	sst s2  }
0xb: {  	[smem:$0x3FAF] =	sst s3  }
0xc: {  	[smem:$0x3FB0] =	sst s4  }
0xd: {  	[smem:$0x3FB1] =	sst s5  }
0xe: {  	[smem:$0x3FB2] =	sst s6  }
0xf: {  	[smem:$0x3FB3] =	sst s7  }
0x10: {  	[smem:$0x3FB4] =	sst s8  }
0x11: {  	[smem:$0x3FB5] =	sst s9;
	s0 =	simm.s32 @!p0 $0x0  }
0x12: {  	s1 =	sld [smem:$0x3F9B];
	s0 =	simm.s32 @p0 $0x1  }
0x13: {  	[smem:$0x3FB6] =	sst s0;
	s0 =	simm.s32 @!p1 $0x0  }
0x14: {  	s2 =	sld [smem:$0x3F9A];
	s0 =	simm.s32 @p1 $0x1  }
0x15: {  	[smem:$0x3FB7] =	sst s0;
	s0 =	simm.s32 @!p2 $0x0  }
0x16: {  	s3 =	sld [smem:$0x3FDB];
	s0 =	simm.s32 @p2 $0x1  }
0x17: {  	s4 =	simm.s32 $0x1BF5;
	[smem:$0x3FB9] =	sst s0  }
0x18: {  	s0 =	sld [smem:$0x3F9C];
	_ =	swait.ge [sflag:s4], $0x0  }
0x19: {  	s7 =	sld [smem:$0x3F9D]  }
0x1a: {  	s8 =	sadd.s32 $0xFFFFE003, lr  }
0x1b: {  	s9 =	sadd.s32 $0xFFFFFEF7, lr;
	s5 =	simm.s32 $0xFFFFFFFF;
	p2 =	slt.u32 s8, $0xFFFFF086  }
0x1c: {  	p1 =	slt.u32 s9, $0xF7A;
	s5 =	simm.s32 @!p2 $0x0  }
0x1d: {  	s5 =	simm.s32 @p1 $0x1;
	p0 =	seq.s32 s7, s2  }
0x1e: {  	s7 =	smul.u32 @!p0 $0xF7A, s2;
	p2 =	seq.s32 @!p0 s5, $0x0  }
0x1f: {  	s9 =	smul.u32 $0xF7A, s1;
	s8 =	simm.s32 @!p0 $0x1BF5;
	p2 =	por !p2, p0  }
0x20: {  	[sflag:s8] =	ssyncset.s32 @!p0 $0xFFFFF086;
	s6 =	sadd.s32 @!p0 s3, s7;
	s7 =	simm.s32 @!p0 $0x108  }
0x21: {  	s3 =	sadd.s32 s3, s9;
	s6 =	sadd.s32 @!p0 $0x88, s6;
	s7 =	simm.s32 @p2 $0x1082  }
0x22: {  	[simem:s7], [sflag:s8] =	dma.local @!p0 [hbm:s6], $0xF7A  }
0x23: {  	s9 =	sor.u32 $0xD0000000, s2;
	s6 =	simm.s32 $0x108;
	_ =	swait.ge @!p0 [sflag:s8], $0x0  }
0x24: {  	s3 =	sadd.s32 $0x88, s3;
	s6 =	simm.s32 @!p1 $0x1082;
	[sflag:s4] =	ssyncset.s32 $0xFFFFF086  }
0x25: {  	[simem:s6], [sflag:s4] =	dma.local [hbm:s3], $0xF7A  }
0x26: {  	[smem:$0x3F9D] =	sst s1;
	(tag) =	ssettag s2;
	_ =	strace s9  }
0x27: {  	s1 =	sld [smem:$0x3FAD]  }
0x28: {  	s2 =	sld [smem:$0x3FAE]  }
0x29: {  	s4 =	sld [smem:$0x3FB0]  }
0x2a: {  	p0 =	seq.s32 s5, $0x0;
	s5 =	sld [smem:$0x3FB1]  }
0x2b: {  	s6 =	sld [smem:$0x3FB2]  }
0x2c: {  	s7 =	sld [smem:$0x3FB3]  }
0x2d: {  	s3 =	simm.s32 $0x108;
	s8 =	sld [smem:$0x3FB4]  }
0x2e: {  	s3 =	simm.s32 @!p0 $0x1082;
	s9 =	sld [smem:$0x3FB5]  }
0x2f: {  	lr =	sadd.s32 s0, s3;
	s0 =	sld [smem:$0x3FAC]  }
0x30: {  	s3 =	sld [smem:$0x3FAF]  }
0x31: {  	[smem:$0x3FB8] =	sst s10  }
0x32: {  	s10 =	sld [smem:$0x3FB6];
	_ =	sdelay $0x3  }
0x33: {  	p0 =	seq.s32 s10, $0x1;
	s10 =	sld [smem:$0x3FB8];
	_ =	sdelay $0x3  }
0x34: {  	[smem:$0x3FB8] =	sst s10  }
0x35: {  	s10 =	sld [smem:$0x3FB7];
	_ =	sdelay $0x3  }
0x36: {  	p1 =	seq.s32 s10, $0x1;
	s10 =	sld [smem:$0x3FB8];
	_ =	sdelay $0x3  }
0x37: {  	[smem:$0x3FB8] =	sst s10  }
0x38: {  	s10 =	sld [smem:$0x3FB9]  }
0x39: {  	_ = 	snop;
	(pc) =	sbr.ind lr, $3  }
0x3a: {  	_ = 	snop  }
0x3b: {  	_ = 	snop  }
0x3c: {  	p2 =	seq.s32 s10, $0x1;
	s10 =	sld [smem:$0x3FB8]  }
0x3d: {  	_ =	shalt  }
0x3e: {  	_ =	shalt  }
0x3f: {  	_ =	shalt  }
0x40: {  	_ =	shalt  }
0x41: {  	_ =	shalt  }
0x42: {  	_ =	shalt  }
0x43: {  	_ =	shalt  }
0x44: {  	_ =	shalt  }
0x45: {  	_ =	shalt  }
0x46: {  	_ =	shalt  }
0x47: {  	_ =	shalt  }
0x48: {  	_ =	shalt  }
0x49: {  	_ =	shalt  }
0x4a: {  	_ =	shalt  }
0x4b: {  	_ =	shalt  }
0x4c: {  	_ =	shalt  }
0x4d: {  	_ =	shalt  }
0x4e: {  	_ =	shalt  }
0x4f: {  	_ =	shalt  }
0x50: {  	_ =	shalt  }
0x51: {  	_ =	shalt  }
0x52: {  	_ =	shalt  }
0x53: {  	_ =	shalt  }
0x54: {  	_ =	shalt  }
0x55: {  	_ =	shalt  }
0x56: {  	_ =	shalt  }
0x57: {  	_ =	shalt  }
0x58: {  	_ =	shalt  }
0x59: {  	_ =	shalt  }
0x5a: {  	_ =	shalt  }
0x5b: {  	_ =	shalt  }
0x5c: {  	_ =	shalt  }
0x5d: {  	_ =	shalt  }
0x5e: {  	_ =	shalt  }
0x5f: {  	_ =	shalt  }
0x60: {  	_ =	shalt  }
0x61: {  	_ =	shalt  }
0x62: {  	_ =	shalt  }
0x63: {  	_ =	shalt  }
0x64: {  	_ =	shalt  }
0x65: {  	_ =	shalt  }
0x66: {  	_ =	shalt  }
0x67: {  	_ =	shalt  }
0x68: {  	_ =	shalt  }
0x69: {  	_ =	shalt  }
0x6a: {  	_ =	shalt  }
0x6b: {  	_ =	shalt  }
0x6c: {  	_ =	shalt  }
0x6d: {  	_ =	shalt  }
0x6e: {  	_ =	shalt  }
0x6f: {  	_ =	shalt  }
0x70: {  	_ =	shalt  }
0x71: {  	_ =	shalt  }
0x72: {  	_ =	shalt  }
0x73: {  	_ =	shalt  }
0x74: {  	_ =	shalt  }
0x75: {  	_ =	shalt  }
0x76: {  	_ =	shalt  }
0x77: {  	_ =	shalt  }
0x78: {  	_ =	shalt  }
0x79: {  	_ =	shalt  }
0x7a: {  	_ =	shalt  }
0x7b: {  	_ =	shalt  }
0x7c: {  	_ =	shalt  }
0x7d: {  	_ =	shalt  }
0x7e: {  	_ =	shalt  }
0x7f: {  	_ =	shalt  }
0x80: {  	_ =	shalt  }
0x81: {  	_ =	shalt  }
0x82: {  	_ =	shalt  }
0x83: {  	_ =	shalt  }
0x84: {  	_ =	shalt  }
0x85: {  	_ =	shalt  }
0x86: {  	_ =	shalt  }
0x87: {  	_ =	shalt  }
.Lfunc_end0:
.L_simem_size_0:
called_computation_lowered:
.L_overlay_start_0:
0x88: {  	s2 =	sld [smem:$0x3FD9]  }
0x89: {  	s3 =	sld [smem:$0x3FFE];
	_ =	sdelay $0x1  }
0x8a: {  	s1 =	srdreg.scid  }
0x8b: {  	s0 =	sand.u32 $0x1, s1  }
0x8c: {  	s17 =	sshll.u32 s0, $0xA;
	s2 =	sadd.s32 s3, s2  }
0x8d: {  	s2 =	sadd.s32 s2, s17  }
0x8e: {  	[smem:$0x3FC4] =	sst s2  }
0x8f: {  	_ = 	snop  }
0x90: {  	s2 =	sld [smem:$0x3FC7]  }
0x91: {  	s18 =	sld [smem:$0x3FC6]  }
0x92: {  	s4 =	sld [smem:$0x3FD0];
	(tm) =	ssettm $0x1  }
0x93: {  	s5 =	sld [smem:$0x3FFB];
	_ =	sdelay $0x3  }
0x94: {  	_ =	strace s5  }
0x95: {  	s5 =	sld [smem:$0x3FFC];
	_ =	sdelay $0x3  }
0x96: {  	_ =	strace s5  }
0x97: {  	s5 =	sld [smem:$0x3FFD];
	_ =	sdelay $0x3  }
0x98: {  	_ =	strace s5  }
0x99: {  	_ =	strace $0x8FFFFFFF  }
0x9a: {  	s19 =	sld [smem:$0x3FDB];
	_ =	sdelay $0x1  }
0x9b: {  	s6 =	simm.s32 $_scs_section_size  }
0x9c: {  	s7 =	simm.s32 $_size__tile_overlayer_lowered;
	s8 =	simm.s32 $_tile_overlayer_lowered  }
0x9d: {  	s22 =	simm.s32 $0x1BFF;
	s21 =	sshll.u32 s8, $0x1;
	s5 =	sadd.s32 s6, s19  }
0x9e: {  	s9 =	simm.s32 $0x0;
	s20 =	sshll.u32 s7, $0x1;
	s7 =	sadd.s32 s21, s5  }
0x9f: {  	[timem:s9], [sflag:s22] =	dma.local [hbm:s7], s20  }
0xa0: {  	_ =	swait.ge [sflag:s22], s20  }
0xa1: {  	s6 =	ssub.s32 $0x0, s20;
	[sflag:s22] =	ssyncset.done $0x0  }
0xa2: {  	[sflag:s22] =	ssyncadd.s32 s6;
	_ =	sdelay $0x1  }
0xa3: {  	s23 =	simm.s32 $0x1B8B  }
0xa4: {  	_ =	swait.ge [sflag:s23], $0x1  }
0xa5: {  	[sflag:s23] =	ssyncset.done $0x0  }
0xa6: {  	s25 =	simm.s32 $0x1B8E;
	s24 =	sld [smem:$0x3FFE];
	[sflag:s23] =	ssyncadd.s32 $0xFFFFFFFF  }
0xa7: {  	s26 =	simm.s32 $execute0_lowered;
	[smem:$0x3FD2] =	sst s25  }
0xa8: {  	s7 =	sshll.u32 s26, $0x1;
	_ =	strace $0x80000046;
	[dreg:$0x1] =	wrdreg $0xFFFFFFFF  }
0xa9: {  	s28 =	simm.s32 $_size_execute0_lowered;
	s5 =	sadd.s32 s5, s7;
	[dreg:$0x0] =	wrdreg $0x0  }
0xaa: {  	s7 =	sshll.u32 s28, $0x1;
	[dreg:$0x2] =	wrdreg s5  }
0xab: {  	[dreg:$0x3] =	wrdreg s7  }
0xac: {  	[dreg:$0x4] =	wrdreg $0xC0  }
0xad: {  	_ =	task [dreg:s9], $0x5FFFF  }
0xae: {  	[dreg:$0x1] =	wrdreg $0xFFFFFFFF  }
0xaf: {  	[dreg:$0x0] =	wrdreg $0x60  }
0xb0: {  	[dreg:$0x2] =	wrdreg s4  }
0xb1: {  	[dreg:$0x3] =	wrdreg s24  }
0xb2: {  	[dreg:$0x4] =	wrdreg s2  }
0xb3: {  	[dreg:$0x5] =	wrdreg s18  }
0xb4: {  	[dreg:$0x6] =	wrdreg $0x9  }
0xb5: {  	_ =	task.clear_ibuf [dreg:s9], $0x7FFFF;
	_ =	strace $0x90000046  }
0xb6: {  	s29 =	simm.s32 $0x9;
	_ =	strace $0x80000048  }
0xb7: {  	_ =	swait.ge [sflag:s29], $0x1  }
0xb8: {  	[sflag:s29] =	ssyncadd.s32 $0xFFFFFFFF  }
0xb9: {  	_ =	strace $0x90000048  }
0xba: {  	_ =	sfence  }
0xbb: {  	s30 =	sld [smem:$0x0];
	_ =	sdelay $0x2  }
0xbc: {  	s31 =	sshll.u32 s1, $0xD;
	s1 =	sshrl.u32 s1, $0x2  }
0xbd: {  	s3 =	sand.u32 $0x4000, s31;
	s1 =	sadd.s32 s1, s30  }
0xbe: {  	s0 =	sor.u32 s3, s0;
	s1 =	sshll.u32 s1, $0x11  }
0xbf: {  	s0 =	sor.u32 s1, s0  }
0xc0: {  	s0 =	sadd.s32 $0x8F2B, s0  }
0xc1: {  	[sflag:s0] =	ssyncadd.remote.s32 $0x1  }
0xc2: {  	_ =	sfence.sel $0xFFFF  }
0xc3: {  	[dreg:$0x0] =	wrdreg $0xFFFFFFFF;
	(pc) =	sbr.abs _section_cstart, $3  }
0xc4: {  	[dreg:$0x1] =	wrdreg $0xFFFFFFFF  }
0xc5: {  	_ =	task.clear_ibuf [dreg:s9], $0x2FFFF;
	_ =	strace $0x9FFFFFFF  }
0xc6: {  	(tm) =	ssettm $0x7FFFFFFF  }
0xc7: {  	_ =	shalt  }
tec
execute0_lowered:
.L_overlay_start_1:
0x0: {  	(tag) =	ssettag $0x1  }
0x1: {  	s0 =	rddreg [dreg:$0x0]  }
0x2: {  	s1 =	rddreg [dreg:$0x1]  }
0x3: {  	s2 =	rddreg [dreg:$0x2]  }
0x4: {  	s3 =	rddreg [dreg:$0x3]  }
0x5: {  	s4 =	srdreg.scid;
	s5 =	stileid.u32;
	s18 =	simm.s32 $0xEC00  }
0x6: {  	s19 =	simm.s32 $0xF400;
	s16 =	simm.s32 $0x3;
	s17 =	simm.s32 $0x10400  }
0x7: {  	s20 =	simm.s32 $0x2;
	s21 =	simm.s32 $0x4;
	s22 =	simm.s32 $0x14400  }
0x8: {  	s25 =	simm.s32 $0x0;
	s6 =	sand.u32 $0x1, s4;
	s4 =	simm.s32 $0x0  }
0x9: {  	s5 =	sshll.u32 s5, $0xA;
	s11 =	sadd.s32 $0x300, s2;
	s12 =	sadd.s32 $0x100, s3  }
0xa: {  	s13 =	sadd.s32 $0x200, s3;
	s14 =	sadd.s32 $0x300, s3;
	s7 =	sshll.u32 s6, $0x9  }
0xb: {  	[smem:$0x7FF] =	sst s4;
	s26 =	ssub.s32 $0x2, s6;
	s6 =	sadd.s32 $0xC00, s1  }
0xc: {  	s5 =	sor.u32 s7, s5;
	_ =	strace $0x80000047;
	s9 =	sshrl.u32 s26, $0x1  }
0xd: {  	s7 =	simm.s32 $0xFC00;
	s8 =	sshrl.u32 s5, $0x3;
	s28 =	ssub.s32 s26, s9  }
.Ltmp0:
0xe: {  	s9 =	sadd.s32 $0x100, s2;
	s30 =	sshll.u32 s5, $0x7;
	(pc) =	sbr.rel .LBB2_1-.Ltmp0, $4  }
0xf: {  	s10 =	sadd.s32 s8, s1;
	s0 =	sadd.s32 s0, s8;
	s15 =	sadd.s32 s6, s30  }
0x10: {  	v2 =	vlaneseq.u32;
	s31 =	smax.u32 s28, $0x1;
	s1 =	simm.s32 $0xE400;
	[dreg:$0x5] =	wrdreg s0  }
0x11: {  	vm0 =	vmmov $0xffff;
	v1 =	vshrl.u32 v2, $0x3;
	s8 =	simm.s32 $0x1;
	s29 =	sadd.s32 $0x400, s10;
	[dreg:$0x7] =	wrdreg s31  }
0x12: {  	v0 =	vand.u32 $0x7, v2;
	v2 =	vor.u32 $0x8, v2;
	v1 =	vmul.u32 $0x8, v1;
	s10 =	sadd.s32 $0x200, s2;
	s0 =	simm.s32 $0xDC00;
	[dreg:$0x6] =	wrdreg s29  }
.LBB2_8:
0x13: {  	s23 =	simm.s32 $0x5  }
0x14: {  	_ =	swait.ge [sflag:s23], $0x4000  }
0x15: {  	[sflag:s23] =	ssyncset.done $0x0  }
0x16: {  	s24 =	simm.s32 $0x6;
	[sflag:s23] =	ssyncadd.s32 $0xFFFFC000  }
0x17: {  	_ =	swait.ge [sflag:s24], $0x4000  }
0x18: {  	s25 =	rddreg [dreg:$0x8]  }
0x19: {  	s31 =	rddreg [dreg:$0x7];
	s25 =	sadd.s32 $0x1, s25  }
0x1a: {  	p0 =	sne.s32 s25, s31  }
.Ltmp1:
0x1b: {  	_ = 	snop;
	(pc) =	sbr.rel @!p0 .LBB2_9-.Ltmp1, $3  }
0x1c: {  	_ =	sdelay $0x1  }
0x1d: {  	[sflag:s24] =	ssyncset.done $0x0  }
0x1e: {  	[sflag:s24] =	ssyncadd.s32 $0xFFFFC000  }
.LBB2_1:
0x1f: {  	[dreg:$0x8] =	wrdreg s25  }
0x20: {  	s23 =	rddreg [dreg:$0x5];
	s24 =	simm.s32 $0x7  }
0x21: {  	[tilespmem:s4], [sflag:$0x7] =	stream.linear.gather [hbm4b:s23+s4], $0x200, $0x38;
	[tilespmem:$0x18400] =	vst v63  }
0x22: {  	_ =	swait.ge [sflag:s24], $0x200  }
0x23: {  	[sflag:s24] =	ssyncset.done $0x0  }
0x24: {  	s31 =	simm.s32 $0x200;
	s30 =	rddreg [dreg:$0x6];
	[sflag:s24] =	ssyncadd.s32 $0xFFFFFE00  }
0x25: {  	[tilespmem:s31], [sflag:$0x7] =	stream.linear.gather [hbm4b:s30+s4], $0x200, $0x38;
	[tilespmem:$0x18400] =	vst v63  }
0x26: {  	_ =	swait.ge [sflag:s24], $0x200  }
0x27: {  	[sflag:s24] =	ssyncset.done $0x0  }
0x28: {  	[sflag:s24] =	ssyncadd.s32 $0xFFFFFE00  }
0x29: {  	v3 =	vld [tilespmem:$0x0];
	_ =	sdelay $0x4  }
0x2a: {  	v4 =	vshll.u32 v3, $0x3  }
0x2b: {  	v3 =	vand.u32 $0x7, v3;
	v4 =	vand.u32 $0xFFFFFFC0, v4  }
0x2c: {  	v3 =	vor.u32 v3, v4  }
0x2d: {  	v4 =	vperm.xlane v3, v0;
	_ =	sdelay $0x1  }
0x2e: {  	v4 =	vadd.s32 v1, v4;
	_ =	sdelay $0x3  }
0x2f: {  	s25 =	simm.s32 $0x400  }
0x30: {  	[tilespmem:s25], [sflag:$0x1] =	stream.indirect_vreg.gather [hbm4b:s2+s4], $0x80, v4, vm0, $0xb8;
	[tilespmem:$0x18400] =	vst v63  }
0x31: {  	s26 =	simm.s32 $0xC00;
	v3 =	vperm.xlane v3, v2  }
0x32: {  	[tilespmem:s26], [sflag:$0x1] =	stream.indirect_vreg.gather [hbm4b:s9+s4], $0x80, v4, vm0, $0xb8;
	[tilespmem:$0x18400] =	vst v63  }
0x33: {  	s28 =	simm.s32 $0x1400;
	v3 =	vadd.s32 v1, v3  }
0x34: {  	[tilespmem:s28], [sflag:$0x1] =	stream.indirect_vreg.gather [hbm4b:s10+s4], $0x80, v4, vm0, $0xb8;
	[tilespmem:$0x18400] =	vst v63  }
0x35: {  	s29 =	simm.s32 $0x1C00  }
0x36: {  	[tilespmem:s29], [sflag:$0x1] =	stream.indirect_vreg.gather [hbm4b:s11+s4], $0x80, v4, vm0, $0xb8;
	[tilespmem:$0x18400] =	vst v63  }
0x37: {  	s30 =	simm.s32 $0x2400  }
0x38: {  	[tilespmem:s30], [sflag:$0x1] =	stream.indirect_vreg.gather [hbm4b:s2+s4], $0x80, v3, vm0, $0xb8;
	[tilespmem:$0x18400] =	vst v63  }
0x39: {  	s31 =	simm.s32 $0x2C00  }
0x3a: {  	[tilespmem:s31], [sflag:$0x1] =	stream.indirect_vreg.gather [hbm4b:s9+s4], $0x80, v3, vm0, $0xb8;
	[tilespmem:$0x18400] =	vst v63  }
0x3b: {  	s24 =	simm.s32 $0x3400  }
0x3c: {  	[tilespmem:s24], [sflag:$0x1] =	stream.indirect_vreg.gather [hbm4b:s10+s4], $0x80, v3, vm0, $0xb8;
	[tilespmem:$0x18400] =	vst v63  }
0x3d: {  	s25 =	simm.s32 $0x3C00  }
0x3e: {  	[tilespmem:s25], [sflag:$0x1] =	stream.indirect_vreg.gather [hbm4b:s11+s4], $0x80, v3, vm0, $0xb8;
	[tilespmem:$0x18400] =	vst v63  }
0x3f: {  	v3 =	vld [tilespmem:$0x200];
	_ =	sdelay $0x4  }
0x40: {  	v61 =	vshll.u32 v3, $0x3  }
0x41: {  	v3 =	vand.u32 $0x7, v3;
	v4 =	vand.u32 $0xFFFFFFC0, v61  }
0x42: {  	v3 =	vor.u32 v3, v4  }
0x43: {  	v4 =	vperm.xlane v3, v0;
	_ =	sdelay $0x1  }
0x44: {  	v4 =	vadd.s32 v1, v4;
	_ =	sdelay $0x3  }
0x45: {  	s26 =	simm.s32 $0x8400  }
0x46: {  	[tilespmem:s26], [sflag:$0x3] =	stream.indirect_vreg.gather [hbm4b:s3+s4], $0x80, v4, vm0, $0xb8;
	[tilespmem:$0x18400] =	vst v63  }
0x47: {  	s28 =	simm.s32 $0x8C00;
	v3 =	vperm.xlane v3, v2  }
0x48: {  	[tilespmem:s28], [sflag:$0x3] =	stream.indirect_vreg.gather [hbm4b:s12+s4], $0x80, v4, vm0, $0xb8;
	[tilespmem:$0x18400] =	vst v63  }
0x49: {  	s29 =	simm.s32 $0x9400;
	v3 =	vadd.s32 v1, v3  }
0x4a: {  	[tilespmem:s29], [sflag:$0x3] =	stream.indirect_vreg.gather [hbm4b:s13+s4], $0x80, v4, vm0, $0xb8;
	[tilespmem:$0x18400] =	vst v63  }
0x4b: {  	s30 =	simm.s32 $0x9C00  }
0x4c: {  	[tilespmem:s30], [sflag:$0x3] =	stream.indirect_vreg.gather [hbm4b:s14+s4], $0x80, v4, vm0, $0xb8;
	[tilespmem:$0x18400] =	vst v63  }
0x4d: {  	s31 =	simm.s32 $0xA400  }
0x4e: {  	[tilespmem:s31], [sflag:$0x3] =	stream.indirect_vreg.gather [hbm4b:s3+s4], $0x80, v3, vm0, $0xb8;
	[tilespmem:$0x18400] =	vst v63  }
0x4f: {  	s24 =	simm.s32 $0xAC00  }
0x50: {  	[tilespmem:s24], [sflag:$0x3] =	stream.indirect_vreg.gather [hbm4b:s12+s4], $0x80, v3, vm0, $0xb8;
	[tilespmem:$0x18400] =	vst v63  }
0x51: {  	s25 =	simm.s32 $0xB400  }
0x52: {  	[tilespmem:s25], [sflag:$0x3] =	stream.indirect_vreg.gather [hbm4b:s13+s4], $0x80, v3, vm0, $0xb8;
	[tilespmem:$0x18400] =	vst v63  }
0x53: {  	s26 =	simm.s32 $0xBC00  }
0x54: {  	[tilespmem:s26], [sflag:$0x3] =	stream.indirect_vreg.gather [hbm4b:s14+s4], $0x80, v3, vm0, $0xb8;
	[tilespmem:$0x18400] =	vst v63  }
0x55: {  	v3 =	vld [tilespmem:$0x10];
	_ =	sdelay $0x4  }
0x56: {  	v62 =	vshll.u32 v3, $0x3  }
0x57: {  	v3 =	vand.u32 $0x7, v3;
	v4 =	vand.u32 $0xFFFFFFC0, v62  }
0x58: {  	v3 =	vor.u32 v3, v4  }
0x59: {  	v4 =	vperm.xlane v3, v0;
	_ =	sdelay $0x1  }
0x5a: {  	v4 =	vadd.s32 v1, v4;
	_ =	sdelay $0x3  }
0x5b: {  	s28 =	simm.s32 $0x4400  }
0x5c: {  	[tilespmem:s28], [sflag:$0x2] =	stream.indirect_vreg.gather [hbm4b:s2+s4], $0x80, v4, vm0, $0xb8;
	[tilespmem:$0x18400] =	vst v63  }
0x5d: {  	s29 =	simm.s32 $0x4C00;
	v3 =	vperm.xlane v3, v2  }
0x5e: {  	[tilespmem:s29], [sflag:$0x2] =	stream.indirect_vreg.gather [hbm4b:s9+s4], $0x80, v4, vm0, $0xb8;
	[tilespmem:$0x18400] =	vst v63  }
0x5f: {  	s30 =	simm.s32 $0x5400;
	v3 =	vadd.s32 v1, v3  }
0x60: {  	[tilespmem:s30], [sflag:$0x2] =	stream.indirect_vreg.gather [hbm4b:s10+s4], $0x80, v4, vm0, $0xb8;
	[tilespmem:$0x18400] =	vst v63  }
0x61: {  	s31 =	simm.s32 $0x5C00  }
0x62: {  	[tilespmem:s31], [sflag:$0x2] =	stream.indirect_vreg.gather [hbm4b:s11+s4], $0x80, v4, vm0, $0xb8;
	[tilespmem:$0x18400] =	vst v63  }
0x63: {  	s24 =	simm.s32 $0x6400  }
0x64: {  	[tilespmem:s24], [sflag:$0x2] =	stream.indirect_vreg.gather [hbm4b:s2+s4], $0x80, v3, vm0, $0xb8;
	[tilespmem:$0x18400] =	vst v63  }
0x65: {  	s25 =	simm.s32 $0x6C00  }
0x66: {  	[tilespmem:s25], [sflag:$0x2] =	stream.indirect_vreg.gather [hbm4b:s9+s4], $0x80, v3, vm0, $0xb8;
	[tilespmem:$0x18400] =	vst v63  }
0x67: {  	s26 =	simm.s32 $0x7400  }
0x68: {  	[tilespmem:s26], [sflag:$0x2] =	stream.indirect_vreg.gather [hbm4b:s10+s4], $0x80, v3, vm0, $0xb8;
	[tilespmem:$0x18400] =	vst v63  }
0x69: {  	s28 =	simm.s32 $0x7C00  }
0x6a: {  	[tilespmem:s28], [sflag:$0x2] =	stream.indirect_vreg.gather [hbm4b:s11+s4], $0x80, v3, vm0, $0xb8;
	[tilespmem:$0x18400] =	vst v63  }
0x6b: {  	v3 =	vld [tilespmem:$0x210];
	_ =	sdelay $0x4  }
0x6c: {  	v63 =	vshll.u32 v3, $0x3  }
0x6d: {  	v3 =	vand.u32 $0x7, v3;
	v4 =	vand.u32 $0xFFFFFFC0, v63  }
0x6e: {  	v3 =	vor.u32 v3, v4  }
0x6f: {  	v4 =	vperm.xlane v3, v0;
	_ =	sdelay $0x1  }
0x70: {  	v4 =	vadd.s32 v1, v4;
	_ =	sdelay $0x3  }
0x71: {  	s29 =	simm.s32 $0xC400  }
0x72: {  	[tilespmem:s29], [sflag:$0x4] =	stream.indirect_vreg.gather [hbm4b:s3+s4], $0x80, v4, vm0, $0xb8;
	[tilespmem:$0x18400] =	vst v63  }
0x73: {  	s30 =	simm.s32 $0xCC00;
	v3 =	vperm.xlane v3, v2  }
0x74: {  	[tilespmem:s30], [sflag:$0x4] =	stream.indirect_vreg.gather [hbm4b:s12+s4], $0x80, v4, vm0, $0xb8;
	[tilespmem:$0x18400] =	vst v63  }
0x75: {  	s31 =	simm.s32 $0xD400;
	v3 =	vadd.s32 v1, v3  }
0x76: {  	[tilespmem:s31], [sflag:$0x4] =	stream.indirect_vreg.gather [hbm4b:s13+s4], $0x80, v4, vm0, $0xb8;
	[tilespmem:$0x18400] =	vst v63  }
0x77: {  	_ = 	snop  }
0x78: {  	[tilespmem:s0], [sflag:$0x4] =	stream.indirect_vreg.gather [hbm4b:s14+s4], $0x80, v4, vm0, $0xb8;
	[tilespmem:$0x18400] =	vst v63  }
0x79: {  	_ = 	snop  }
0x7a: {  	[tilespmem:s1], [sflag:$0x4] =	stream.indirect_vreg.gather [hbm4b:s3+s4], $0x80, v3, vm0, $0xb8;
	[tilespmem:$0x18400] =	vst v63  }
0x7b: {  	_ = 	snop  }
0x7c: {  	[tilespmem:s18], [sflag:$0x4] =	stream.indirect_vreg.gather [hbm4b:s12+s4], $0x80, v3, vm0, $0xb8;
	[tilespmem:$0x18400] =	vst v63  }
0x7d: {  	_ = 	snop  }
0x7e: {  	[tilespmem:s19], [sflag:$0x4] =	stream.indirect_vreg.gather [hbm4b:s13+s4], $0x80, v3, vm0, $0xb8;
	[tilespmem:$0x18400] =	vst v63  }
0x7f: {  	s23 =	simm.s32 $0x0  }
0x80: {  	[tilespmem:s7], [sflag:$0x4] =	stream.indirect_vreg.gather [hbm4b:s14+s4], $0x80, v3, vm0, $0xb8;
	[tilespmem:$0x18400] =	vst v63  }
.LBB2_2:
0x81: {  	_ =	swait.ge [sflag:s8], $0x4000  }
0x82: {  	[sflag:s8] =	ssyncset.done $0x0  }
0x83: {  	[sflag:s8] =	ssyncadd.s32 $0xFFFFC000  }
0x84: {  	p0 =	seq.s32 s23, $0x0;
	_ =	swait.ge [sflag:s16], $0x4000  }
0x85: {  	s26 =	simm.s32 $0x0;
	s25 =	simm.s32 $0x0;
	[sflag:s16] =	ssyncset.done $0x0  }
0x86: {  	s29 =	simm.s32 $0x0;
	s24 =	simm.s32 @!p0 $0x5;
	[sflag:s16] =	ssyncadd.s32 $0xFFFFC000  }
0x87: {  	s25 =	sand.u32 $0x2000, s25;
	s28 =	sand.u32 $0x1C00, s26;
	_ =	swait.ge @!p0 [sflag:s24], $0x4000  }
0x88: {  	s25 =	sor.u32 s28, s25;
	s28 =	sand.u32 $0x380, s29;
	[sflag:s24] =	ssyncset.done @!p0 $0x0  }
0x89: {  	s25 =	sor.u32 s28, s25;
	[sflag:s24] =	ssyncadd.s32 @!p0 $0xFFFFC000  }
0x8a: {  	v3 =	vld [tilespmem:s25+$0x470]  }
0x8b: {  	v4 =	vld [tilespmem:s25+$0x8470]  }
0x8c: {  	v5 =	vld [tilespmem:s25+$0x400]  }
0x8d: {  	v8 =	vld [tilespmem:s25+$0x8400]  }
0x8e: {  	v9 =	vld [tilespmem:s25+$0x410]  }
0x8f: {  	v10 =	vld [tilespmem:s25+$0x8410]  }
0x90: {  	v6 =	vld [tilespmem:s25+$0x420]  }
0x91: {  	v7 =	vld [tilespmem:s25+$0x8420];
	v4 =	vadd.f32 v4, v3  }
0x92: {  	v3 =	vld [tilespmem:s25+$0x430];
	v5 =	vadd.f32 v8, v5  }
0x93: {  	[tilespmem:s25+$0x10470] =	vst v4;
	v4 =	vld [tilespmem:s25+$0x8430]  }
0x94: {  	s28 =	simm.s32 $0x0;
	s24 =	sshll.u32 s23, $0x5;
	v8 =	vadd.f32 v10, v9;
	[tilespmem:s25+$0x10400] =	vst v5;
	v5 =	vld [tilespmem:s25+$0x440]  }
.LBB2_3:
0x95: {  	s28 =	sadd.s32 $0x8, s28;
	v9 =	vld [tilespmem:s25+$0x8440]  }
0x96: {  	s26 =	sadd.s32 $0x400, s26;
	s29 =	sshll.u32 s28, $0x4;
	p1 =	slt.u32 s28, $0x3F8;
	[tilespmem:s25+$0x10410] =	vst v8;
	v6 =	vadd.f32 v7, v6;
	v7 =	vld [tilespmem:s25+$0x450]  }
0x97: {  	s30 =	sand.u32 $0x1C00, s26;
	s31 =	sshll.u32 s28, $0x1;
	s29 =	sand.u32 $0x2000, s29;
	v8 =	vld [tilespmem:s25+$0x8450]  }
0x98: {  	s29 =	sor.u32 s30, s29;
	s30 =	sand.u32 $0x380, s31;
	[tilespmem:s25+$0x10420] =	vst v6;
	v3 =	vadd.f32 v4, v3;
	v4 =	vld [tilespmem:s25+$0x460]  }
0x99: {  	s29 =	sor.u32 s30, s29;
	v6 =	vld [tilespmem:s25+$0x8460]  }
0x9a: {  	v10 =	vld [tilespmem:s29+$0x470];
	[tilespmem:s25+$0x10430] =	vst v3;
	v3 =	vadd.f32 v9, v5  }
0x9b: {  	v5 =	vld [tilespmem:s29+$0x8470]  }
0x9c: {  	v9 =	vld [tilespmem:s29+$0x400];
	[tilespmem:s25+$0x10440] =	vst v3;
	v3 =	vadd.f32 v8, v7  }
0x9d: {  	v8 =	vld [tilespmem:s29+$0x8400]  }
0x9e: {  	v11 =	vld [tilespmem:s29+$0x410];
	[tilespmem:s25+$0x10450] =	vst v3;
	v3 =	vadd.f32 v6, v4  }
0x9f: {  	v12 =	vld [tilespmem:s29+$0x8410]  }
.Ltmp2:
0xa0: {  	v6 =	vld [tilespmem:s29+$0x420];
	v4 =	vadd.f32 v5, v10;
	[tilespmem:s25+$0x10460] =	vst v3;
	s25 =	smov.u32 s29;
	(pc) =	sbr.rel @p1 .LBB2_3-.Ltmp2, $4  }
0xa1: {  	v7 =	vld [tilespmem:s25+$0x8420]  }
0xa2: {  	v5 =	vadd.f32 v8, v9;
	v3 =	vld [tilespmem:s25+$0x430];
	[tilespmem:s25+$0x10470] =	vst v4  }
0xa3: {  	v4 =	vld [tilespmem:s25+$0x8430]  }
0xa4: {  	[tilespmem:s25+$0x10400] =	vst v5;
	v8 =	vadd.f32 v12, v11;
	v5 =	vld [tilespmem:s25+$0x440]  }
0xa5: {  	v9 =	vld [tilespmem:s25+$0x8440]  }
0xa6: {  	v10 =	vld [tilespmem:s25+$0x8460]  }
0xa7: {  	v6 =	vadd.f32 v7, v6;
	v7 =	vld [tilespmem:s25+$0x450]  }
0xa8: {  	[tilespmem:s25+$0x10410] =	vst v8;
	v8 =	vld [tilespmem:s25+$0x8450]  }
0xa9: {  	[tilespmem:s25+$0x10420] =	vst v6;
	v6 =	vld [tilespmem:s25+$0x460];
	_ =	sdelay $0x1  }
0xaa: {  	v3 =	vadd.f32 v4, v3  }
0xab: {  	v4 =	vadd.f32 v9, v5  }
0xac: {  	[tilespmem:s25+$0x10430] =	vst v3;
	v3 =	vadd.f32 v8, v7  }
0xad: {  	[tilespmem:s25+$0x10440] =	vst v4;
	v4 =	vadd.f32 v10, v6  }
0xae: {  	s26 =	sshll.u32 s23, $0xC;
	[tilespmem:s25+$0x10450] =	vst v3  }
0xaf: {  	p1 =	seq.s32 s23, $0xF;
	s30 =	sadd.s32 s26, s15;
	[tilespmem:s25+$0x10460] =	vst v4  }
0xb0: {  	[hbm4b:s30+s4] =	stream.linear.scatter [tilespmem:s17], [sflag:$0x5], $0x4000, $0x38;
	[tilespmem:$0x18400] =	vst v63  }
0xb1: {  	v3 =	vld @!p1 [tilespmem:s24+$0x20];
	_ =	sdelay $0x4  }
0xb2: {  	v4 =	vshll.u32 @!p1 v3, $0x3  }
0xb3: {  	v5 =	vlaneseq.u32 @!p1;
	v3 =	vand.u32 @!p1 $0x7, v3;
	v4 =	vand.u32 @!p1 $0xFFFFFFC0, v4  }
0xb4: {  	v6 =	vshrl.u32 @!p1 v5, $0x3;
	v3 =	vor.u32 @!p1 v3, v4;
	v4 =	vand.u32 @!p1 $0x7, v5  }
0xb5: {  	v6 =	vmul.u32 @!p1 $0x8, v6;
	v7 =	vperm.xlane @!p1 v3, v4;
	_ =	sdelay $0x1  }
0xb6: {  	v7 =	vadd.s32 @!p1 v6, v7;
	_ =	sdelay $0x3  }
0xb7: {  	vm1 =	vmmov @!p1 $0xffff;
	s26 =	simm.s32 @!p1 $0x400;
	s25 =	simm.s32 @!p1 $0x0  }
0xb8: {  	v5 =	vor.u32 @!p1 $0x8, v5;
	[tilespmem:s26], [sflag:$0x1] =	stream.indirect_vreg.gather @!p1 [hbm4b:s2+s25], $0x80, v7, vm1, $0xb8;
	[tilespmem:$0x18400] =	vst v63  }
0xb9: {  	v3 =	vperm.xlane @!p1 v3, v5;
	s26 =	simm.s32 @!p1 $0xC00  }
0xba: {  	[tilespmem:s26], [sflag:$0x1] =	stream.indirect_vreg.gather @!p1 [hbm4b:s9+s25], $0x80, v7, vm1, $0xb8;
	[tilespmem:$0x18400] =	vst v63  }
0xbb: {  	v3 =	vadd.s32 @!p1 v6, v3;
	s26 =	simm.s32 @!p1 $0x1400  }
0xbc: {  	[tilespmem:s26], [sflag:$0x1] =	stream.indirect_vreg.gather @!p1 [hbm4b:s10+s25], $0x80, v7, vm1, $0xb8;
	[tilespmem:$0x18400] =	vst v63  }
0xbd: {  	s26 =	simm.s32 @!p1 $0x1C00  }
0xbe: {  	[tilespmem:s26], [sflag:$0x1] =	stream.indirect_vreg.gather @!p1 [hbm4b:s11+s25], $0x80, v7, vm1, $0xb8;
	[tilespmem:$0x18400] =	vst v63  }
0xbf: {  	s26 =	simm.s32 @!p1 $0x2400  }
0xc0: {  	[tilespmem:s26], [sflag:$0x1] =	stream.indirect_vreg.gather @!p1 [hbm4b:s2+s25], $0x80, v3, vm1, $0xb8;
	[tilespmem:$0x18400] =	vst v63  }
0xc1: {  	s26 =	simm.s32 @!p1 $0x2C00  }
0xc2: {  	[tilespmem:s26], [sflag:$0x1] =	stream.indirect_vreg.gather @!p1 [hbm4b:s9+s25], $0x80, v3, vm1, $0xb8;
	[tilespmem:$0x18400] =	vst v63  }
0xc3: {  	s26 =	simm.s32 @!p1 $0x3400  }
0xc4: {  	[tilespmem:s26], [sflag:$0x1] =	stream.indirect_vreg.gather @!p1 [hbm4b:s10+s25], $0x80, v3, vm1, $0xb8;
	[tilespmem:$0x18400] =	vst v63  }
0xc5: {  	s26 =	simm.s32 @!p1 $0x3C00  }
0xc6: {  	[tilespmem:s26], [sflag:$0x1] =	stream.indirect_vreg.gather @!p1 [hbm4b:s11+s25], $0x80, v3, vm1, $0xb8;
	[tilespmem:$0x18400] =	vst v63  }
0xc7: {  	v3 =	vld @!p1 [tilespmem:s24+$0x220];
	_ =	sdelay $0x4  }
0xc8: {  	v7 =	vshll.u32 @!p1 v3, $0x3  }
0xc9: {  	v3 =	vand.u32 @!p1 $0x7, v3;
	v7 =	vand.u32 @!p1 $0xFFFFFFC0, v7  }
0xca: {  	v3 =	vor.u32 @!p1 v3, v7  }
0xcb: {  	v4 =	vperm.xlane @!p1 v3, v4;
	_ =	sdelay $0x1  }
0xcc: {  	v4 =	vadd.s32 @!p1 v6, v4;
	_ =	sdelay $0x3  }
0xcd: {  	s26 =	simm.s32 @!p1 $0x8400  }
0xce: {  	[tilespmem:s26], [sflag:$0x3] =	stream.indirect_vreg.gather @!p1 [hbm4b:s3+s25], $0x80, v4, vm1, $0xb8;
	[tilespmem:$0x18400] =	vst v63  }
0xcf: {  	v3 =	vperm.xlane @!p1 v3, v5;
	s26 =	simm.s32 @!p1 $0x8C00  }
0xd0: {  	[tilespmem:s26], [sflag:$0x3] =	stream.indirect_vreg.gather @!p1 [hbm4b:s12+s25], $0x80, v4, vm1, $0xb8;
	[tilespmem:$0x18400] =	vst v63  }
0xd1: {  	v3 =	vadd.s32 @!p1 v6, v3;
	s26 =	simm.s32 @!p1 $0x9400  }
0xd2: {  	[tilespmem:s26], [sflag:$0x3] =	stream.indirect_vreg.gather @!p1 [hbm4b:s13+s25], $0x80, v4, vm1, $0xb8;
	[tilespmem:$0x18400] =	vst v63  }
0xd3: {  	s26 =	simm.s32 @!p1 $0x9C00  }
0xd4: {  	[tilespmem:s26], [sflag:$0x3] =	stream.indirect_vreg.gather @!p1 [hbm4b:s14+s25], $0x80, v4, vm1, $0xb8;
	[tilespmem:$0x18400] =	vst v63  }
0xd5: {  	s26 =	simm.s32 @!p1 $0xA400  }
0xd6: {  	[tilespmem:s26], [sflag:$0x3] =	stream.indirect_vreg.gather @!p1 [hbm4b:s3+s25], $0x80, v3, vm1, $0xb8;
	[tilespmem:$0x18400] =	vst v63  }
0xd7: {  	s26 =	simm.s32 @!p1 $0xAC00  }
0xd8: {  	[tilespmem:s26], [sflag:$0x3] =	stream.indirect_vreg.gather @!p1 [hbm4b:s12+s25], $0x80, v3, vm1, $0xb8;
	[tilespmem:$0x18400] =	vst v63  }
0xd9: {  	s26 =	simm.s32 @!p1 $0xB400  }
0xda: {  	[tilespmem:s26], [sflag:$0x3] =	stream.indirect_vreg.gather @!p1 [hbm4b:s13+s25], $0x80, v3, vm1, $0xb8;
	[tilespmem:$0x18400] =	vst v63  }
0xdb: {  	s26 =	simm.s32 @!p1 $0xBC00  }
0xdc: {  	[tilespmem:s26], [sflag:$0x3] =	stream.indirect_vreg.gather @!p1 [hbm4b:s14+s25], $0x80, v3, vm1, $0xb8;
	[tilespmem:$0x18400] =	vst v63  }
0xdd: {  	_ =	swait.ge [sflag:s20], $0x4000  }
0xde: {  	[sflag:s20] =	ssyncset.done $0x0  }
0xdf: {  	[sflag:s20] =	ssyncadd.s32 $0xFFFFC000  }
0xe0: {  	s28 =	simm.s32 $0x0;
	_ =	swait.ge [sflag:s21], $0x4000  }
0xe1: {  	s28 =	sand.u32 $0x2000, s28;
	[sflag:s21] =	ssyncset.done $0x0  }
0xe2: {  	s25 =	simm.s32 @!p0 $0x6;
	s26 =	simm.s32 $0x0;
	[sflag:s21] =	ssyncadd.s32 $0xFFFFC000  }
0xe3: {  	s30 =	simm.s32 $0x0;
	s29 =	sand.u32 $0x1C00, s26;
	_ =	swait.ge @!p0 [sflag:s25], $0x4000  }
0xe4: {  	s31 =	sand.u32 $0x380, s30;
	s28 =	sor.u32 s29, s28;
	[sflag:s25] =	ssyncset.done @!p0 $0x0  }
0xe5: {  	[sflag:s25] =	ssyncadd.s32 @!p0 $0xFFFFC000;
	s25 =	sor.u32 s31, s28  }
0xe6: {  	v3 =	vld [tilespmem:s25+$0x4470]  }
0xe7: {  	v4 =	vld [tilespmem:s25+$0xC470]  }
0xe8: {  	v5 =	vld [tilespmem:s25+$0x4400]  }
0xe9: {  	v8 =	vld [tilespmem:s25+$0xC400]  }
0xea: {  	v9 =	vld [tilespmem:s25+$0x4410]  }
0xeb: {  	v10 =	vld [tilespmem:s25+$0xC410]  }
0xec: {  	v6 =	vld [tilespmem:s25+$0x4420]  }
0xed: {  	v7 =	vld [tilespmem:s25+$0xC420];
	v4 =	vadd.f32 v4, v3  }
0xee: {  	v3 =	vld [tilespmem:s25+$0x4430];
	v8 =	vadd.f32 v8, v5  }
0xef: {  	v5 =	vld [tilespmem:s25+$0xC430];
	[tilespmem:s25+$0x14470] =	vst v4  }
0xf0: {  	s28 =	simm.s32 $0x0;
	[tilespmem:s25+$0x14400] =	vst v8;
	v8 =	vadd.f32 v10, v9;
	v4 =	vld [tilespmem:s25+$0x4440]  }
.LBB2_5:
0xf1: {  	s28 =	sadd.s32 $0x8, s28;
	v9 =	vld [tilespmem:s25+$0xC440]  }
0xf2: {  	s26 =	sadd.s32 $0x400, s26;
	s29 =	sshll.u32 s28, $0x4;
	p0 =	slt.u32 s28, $0x3F8;
	[tilespmem:s25+$0x14410] =	vst v8;
	v6 =	vadd.f32 v7, v6;
	v7 =	vld [tilespmem:s25+$0x4450]  }
0xf3: {  	s30 =	sand.u32 $0x1C00, s26;
	s31 =	sshll.u32 s28, $0x1;
	s29 =	sand.u32 $0x2000, s29;
	v8 =	vld [tilespmem:s25+$0xC450]  }
0xf4: {  	s29 =	sor.u32 s30, s29;
	s30 =	sand.u32 $0x380, s31;
	[tilespmem:s25+$0x14420] =	vst v6;
	v3 =	vadd.f32 v5, v3;
	v5 =	vld [tilespmem:s25+$0x4460]  }
0xf5: {  	s29 =	sor.u32 s30, s29;
	v6 =	vld [tilespmem:s25+$0xC460]  }
0xf6: {  	v10 =	vld [tilespmem:s29+$0x4470];
	[tilespmem:s25+$0x14430] =	vst v3;
	v3 =	vadd.f32 v9, v4  }
0xf7: {  	v4 =	vld [tilespmem:s29+$0xC470]  }
0xf8: {  	v9 =	vld [tilespmem:s29+$0x4400];
	[tilespmem:s25+$0x14440] =	vst v3;
	v3 =	vadd.f32 v8, v7  }
0xf9: {  	v8 =	vld [tilespmem:s29+$0xC400]  }
0xfa: {  	v11 =	vld [tilespmem:s29+$0x4410];
	[tilespmem:s25+$0x14450] =	vst v3;
	v3 =	vadd.f32 v6, v5  }
0xfb: {  	v12 =	vld [tilespmem:s29+$0xC410]  }
.Ltmp3:
0xfc: {  	v6 =	vld [tilespmem:s29+$0x4420];
	v4 =	vadd.f32 v4, v10;
	[tilespmem:s25+$0x14460] =	vst v3;
	s25 =	smov.u32 s29;
	(pc) =	sbr.rel @p0 .LBB2_5-.Ltmp3, $4  }
0xfd: {  	v7 =	vld [tilespmem:s25+$0xC420]  }
0xfe: {  	v8 =	vadd.f32 v8, v9;
	v3 =	vld [tilespmem:s25+$0x4430];
	[tilespmem:s25+$0x14470] =	vst v4  }
0xff: {  	v5 =	vld [tilespmem:s25+$0xC430]  }
0x100: {  	[tilespmem:s25+$0x14400] =	vst v8;
	v8 =	vadd.f32 v12, v11;
	v4 =	vld [tilespmem:s25+$0x4440]  }
0x101: {  	v9 =	vld [tilespmem:s25+$0xC440]  }
0x102: {  	v60 =	vld [tilespmem:s25+$0x4450]  }
0x103: {  	v61 =	vld [tilespmem:s25+$0xC450]  }
0x104: {  	v62 =	vld [tilespmem:s25+$0x4460]  }
0x105: {  	v10 =	vld [tilespmem:s25+$0xC460]  }
0x106: {  	v6 =	vadd.f32 v7, v6  }
0x107: {  	[tilespmem:s25+$0x14410] =	vst v8;
	v3 =	vadd.f32 v5, v3  }
0x108: {  	[tilespmem:s25+$0x14420] =	vst v6;
	v4 =	vadd.f32 v9, v4  }
.Ltmp4:
0x109: {  	s26 =	sadd.s32 s24, s5;
	[tilespmem:s25+$0x14430] =	vst v3;
	v3 =	vadd.f32 v61, v60;
	(pc) =	sbr.rel @p1 .LBB2_8-.Ltmp4, $4  }
0x10a: {  	s26 =	sshll.u32 s26, $0x7;
	v63 =	vadd.f32 v10, v62;
	[tilespmem:s25+$0x14440] =	vst v4  }
0x10b: {  	s26 =	sadd.s32 s6, s26;
	[tilespmem:s25+$0x14450] =	vst v3  }
0x10c: {  	s31 =	sadd.s32 $0x800, s26;
	[tilespmem:s25+$0x14460] =	vst v63  }
0x10d: {  	[hbm4b:s31+s4] =	stream.linear.scatter [tilespmem:s22], [sflag:$0x6], $0x4000, $0x38;
	[tilespmem:$0x18400] =	vst v63  }
0x10e: {  	v3 =	vld [tilespmem:s24+$0x30];
	_ =	sdelay $0x4  }
0x10f: {  	v4 =	vshll.u32 v3, $0x3  }
0x110: {  	v3 =	vand.u32 $0x7, v3;
	v4 =	vand.u32 $0xFFFFFFC0, v4  }
0x111: {  	v3 =	vor.u32 v3, v4  }
0x112: {  	v4 =	vperm.xlane v3, v0;
	_ =	sdelay $0x1  }
0x113: {  	v4 =	vadd.s32 v1, v4;
	_ =	sdelay $0x3  }
0x114: {  	s25 =	simm.s32 $0x4400  }
0x115: {  	[tilespmem:s25], [sflag:$0x2] =	stream.indirect_vreg.gather [hbm4b:s2+s4], $0x80, v4, vm0, $0xb8;
	[tilespmem:$0x18400] =	vst v63  }
0x116: {  	s26 =	simm.s32 $0x4C00;
	v3 =	vperm.xlane v3, v2  }
0x117: {  	[tilespmem:s26], [sflag:$0x2] =	stream.indirect_vreg.gather [hbm4b:s9+s4], $0x80, v4, vm0, $0xb8;
	[tilespmem:$0x18400] =	vst v63  }
0x118: {  	s28 =	simm.s32 $0x5400;
	v3 =	vadd.s32 v1, v3  }
0x119: {  	[tilespmem:s28], [sflag:$0x2] =	stream.indirect_vreg.gather [hbm4b:s10+s4], $0x80, v4, vm0, $0xb8;
	[tilespmem:$0x18400] =	vst v63  }
0x11a: {  	s29 =	simm.s32 $0x5C00  }
0x11b: {  	[tilespmem:s29], [sflag:$0x2] =	stream.indirect_vreg.gather [hbm4b:s11+s4], $0x80, v4, vm0, $0xb8;
	[tilespmem:$0x18400] =	vst v63  }
0x11c: {  	s30 =	simm.s32 $0x6400  }
0x11d: {  	[tilespmem:s30], [sflag:$0x2] =	stream.indirect_vreg.gather [hbm4b:s2+s4], $0x80, v3, vm0, $0xb8;
	[tilespmem:$0x18400] =	vst v63  }
0x11e: {  	s31 =	simm.s32 $0x6C00  }
0x11f: {  	[tilespmem:s31], [sflag:$0x2] =	stream.indirect_vreg.gather [hbm4b:s9+s4], $0x80, v3, vm0, $0xb8;
	[tilespmem:$0x18400] =	vst v63  }
0x120: {  	s26 =	simm.s32 $0x7400  }
0x121: {  	[tilespmem:s26], [sflag:$0x2] =	stream.indirect_vreg.gather [hbm4b:s10+s4], $0x80, v3, vm0, $0xb8;
	[tilespmem:$0x18400] =	vst v63  }
0x122: {  	s28 =	simm.s32 $0x7C00  }
0x123: {  	[tilespmem:s28], [sflag:$0x2] =	stream.indirect_vreg.gather [hbm4b:s11+s4], $0x80, v3, vm0, $0xb8;
	[tilespmem:$0x18400] =	vst v63  }
0x124: {  	v3 =	vld [tilespmem:s24+$0x230];
	_ =	sdelay $0x4  }
0x125: {  	v63 =	vshll.u32 v3, $0x3  }
0x126: {  	v3 =	vand.u32 $0x7, v3;
	v4 =	vand.u32 $0xFFFFFFC0, v63  }
0x127: {  	v3 =	vor.u32 v3, v4  }
0x128: {  	v4 =	vperm.xlane v3, v0;
	_ =	sdelay $0x1  }
0x129: {  	v4 =	vadd.s32 v1, v4;
	_ =	sdelay $0x3  }
0x12a: {  	s29 =	simm.s32 $0xC400  }
0x12b: {  	[tilespmem:s29], [sflag:$0x4] =	stream.indirect_vreg.gather [hbm4b:s3+s4], $0x80, v4, vm0, $0xb8;
	[tilespmem:$0x18400] =	vst v63  }
0x12c: {  	s30 =	simm.s32 $0xCC00;
	v3 =	vperm.xlane v3, v2  }
0x12d: {  	[tilespmem:s30], [sflag:$0x4] =	stream.indirect_vreg.gather [hbm4b:s12+s4], $0x80, v4, vm0, $0xb8;
	[tilespmem:$0x18400] =	vst v63  }
0x12e: {  	s31 =	simm.s32 $0xD400;
	v3 =	vadd.s32 v1, v3  }
0x12f: {  	[tilespmem:s31], [sflag:$0x4] =	stream.indirect_vreg.gather [hbm4b:s13+s4], $0x80, v4, vm0, $0xb8;
	[tilespmem:$0x18400] =	vst v63  }
0x130: {  	_ = 	snop  }
0x131: {  	[tilespmem:s0], [sflag:$0x4] =	stream.indirect_vreg.gather [hbm4b:s14+s4], $0x80, v4, vm0, $0xb8;
	[tilespmem:$0x18400] =	vst v63  }
0x132: {  	_ = 	snop  }
0x133: {  	[tilespmem:s1], [sflag:$0x4] =	stream.indirect_vreg.gather [hbm4b:s3+s4], $0x80, v3, vm0, $0xb8;
	[tilespmem:$0x18400] =	vst v63  }
0x134: {  	_ = 	snop  }
0x135: {  	[tilespmem:s18], [sflag:$0x4] =	stream.indirect_vreg.gather [hbm4b:s12+s4], $0x80, v3, vm0, $0xb8;
	[tilespmem:$0x18400] =	vst v63  }
.Ltmp5:
0x136: {  	_ = 	snop;
	(pc) =	sbr.rel .LBB2_2-.Ltmp5, $4  }
0x137: {  	_ = 	snop  }
0x138: {  	[tilespmem:s19], [sflag:$0x4] =	stream.indirect_vreg.gather [hbm4b:s13+s4], $0x80, v3, vm0, $0xb8;
	[tilespmem:$0x18400] =	vst v63  }
0x139: {  	s23 =	sadd.s32 $0x1, s23  }
0x13a: {  	[tilespmem:s7], [sflag:$0x4] =	stream.indirect_vreg.gather [hbm4b:s14+s4], $0x80, v3, vm0, $0xb8;
	[tilespmem:$0x18400] =	vst v63  }
.LBB2_9:
0x13b: {  	_ =	sfence.sel $0x180000  }
0x13c: {  	[bflag:$0x0] =	sbarrier.arrive $0xFFFF  }
0x13d: {  	_ =	strace $0x90000047  }
0x13e: {  	s0 =	stileid.u32;
	[bflag:$0x2] =	sbarrier.arrive $0xFFFF  }
0x13f: {  	p0 =	sne.s32 s0, $0x0;
	s0 =	rddreg [dreg:$0x4]  }
0x140: {  	s0 =	sadd.s32 @!p0 $0x100000, s0  }
0x141: {  	[sflag:s0] =	ssyncadd.tile.s32 @!p0 $0x1;
	_ =	shalt  }
.Lfunc_end2:
_tile_overlayer_lowered:
.L_overlay_start_2:
0x142: {  	(tag) =	ssettag $0x2  }
0x143: {  	s0 =	rddreg [dreg:$0x0];
	s2 =	stileid.u32  }
0x144: {  	s1 =	rddreg [dreg:$0x1];
	p0 =	sne.s32 s2, $0x0  }
0x145: {  	s3 =	rddreg [dreg:$0x2];
	[bflag:$0x3] =	sbarrier.arrive $0xFFFF;
	s2 =	simm.s32 @!p0 $0x1C07  }
0x146: {  	[timem:s3], [sflag:s2] =	dma.local @!p0 [hbm:s0], s1  }
0x147: {  	s0 =	simm.s32 @!p0 $0x7  }
0x148: {  	_ =	swait.ge @!p0 [sflag:s0], s1  }
0x149: {  	s1 =	ssub.s32 @!p0 $0x0, s1;
	[sflag:s0] =	ssyncset.done @!p0 $0x0  }
0x14a: {  	[sflag:s0] =	ssyncadd.s32 @!p0 s1  }
0x14b: {  	[bflag:$0x3] =	sbarrier.arrive $0xFFFF  }
0x14c: {  	_ =	shalt  }

</sc_bundles>
